<compile_context>
chip_gen: v7x
topology: tpu7x:2x2x1
jax: 0.10.2.dev20260603
libtpu: 0.0.44.dev20260713+nightly
codegen_flags: <defaults>
</compile_context>

<pallas_src>
import functools

import jax
import jax.numpy as jnp
from jax import lax
from jax.experimental import pallas as pl
from jax.experimental.pallas import tpu as pltpu
from jax.experimental.pallas import tpu_sc as plsc

_VOCAB_PAD = 128
_FEAT = 200
_DM = 128
_NW = 32


def _fuse_kernel(cbfv_ref, w_ref, b_ref, t_ref):
    t_ref[...] = (
        jnp.dot(cbfv_ref[...], w_ref[...], preferred_element_type=jnp.float32)
        + b_ref[0:1, :]
    )


def _fused_table(cbfv_pad, W, b_rows):
    return pl.pallas_call(
        _fuse_kernel,
        out_shape=jax.ShapeDtypeStruct((_VOCAB_PAD, _DM), jnp.float32),
    )(cbfv_pad, W, b_rows)


_NBUF = 4
_CB = 8
_HALF = _CB * 20 // 2


def _make_gather(batch, seq):
    total_rows = batch * seq
    assert total_rows % (_NW * _CB * seq) == 0
    b_per_w = batch // _NW
    n_chunks = b_per_w // _CB
    assert n_chunks % _NBUF == 0
    n_groups = n_chunks // _NBUF
    rows_per_chunk = _CB * seq
    mesh = plsc.VectorSubcoreMesh(core_axis_name="c", subcore_axis_name="s")

    @functools.partial(
        pl.kernel,
        mesh=mesh,
        out_type=jax.ShapeDtypeStruct((batch, seq, _DM), jnp.float32),
        scratch_types=[
            pltpu.VMEM((n_chunks * 2, _HALF), jnp.int32),
            pltpu.VMEM_SHARED((_VOCAB_PAD, _DM), jnp.float32),
            *[pltpu.VMEM((rows_per_chunk, _DM), jnp.float32) for _ in range(_NBUF)],
            *[pltpu.SemaphoreType.DMA for _ in range(_NBUF)],
        ],
    )
    def gather(table_hbm, idx_hbm, out_hbm, idx_v, table_sh, *bufs_and_sems):
        bufs = bufs_and_sems[:_NBUF]
        sems = bufs_and_sems[_NBUF:]
        wid = lax.axis_index("s") * 2 + lax.axis_index("c")
        batch_base = wid * b_per_w

        @pl.when(lax.axis_index("s") == 0)
        def _():
            pltpu.sync_copy(table_hbm, table_sh)

        pltpu.sync_copy(idx_hbm.at[pl.ds(wid * n_chunks * 2, n_chunks * 2)], idx_v)
        plsc.subcore_barrier()

        def start_gather(b, chunk):
            for h in range(2):
                pltpu.async_copy(
                    table_sh.at[idx_v.at[chunk * 2 + h]],
                    bufs[b].at[pl.ds(h * _HALF, _HALF)],
                    sems[b],
                )

        def drain_and_store(b, chunk):
            for h in range(2):
                pltpu.make_async_copy(
                    table_sh.at[idx_v.at[chunk * 2 + h]],
                    bufs[b].at[pl.ds(h * _HALF, _HALF)],
                    sems[b],
                ).wait()

            def store_one(j, carry):
                pltpu.sync_copy(
                    bufs[b].at[pl.ds(j * seq, seq)],
                    out_hbm.at[batch_base + chunk * _CB + j],
                )
                return carry

            lax.fori_loop(0, _CB, store_one, 0)

        for b in range(_NBUF):
            start_gather(b, b)

        def body(g, carry):
            for b in range(_NBUF):
                i = g * _NBUF + b
                drain_and_store(b, i)
                start_gather(b, i + _NBUF)
            return carry

        lax.fori_loop(0, n_groups - 1, body, 0)
        for b in range(_NBUF):
            drain_and_store(b, (n_groups - 1) * _NBUF + b)

    return gather


def kernel(src, cbfv, W, b):
    batch, seq = src.shape
    idx = src.reshape(-1).astype(jnp.int32)
    cbfv_pad = jnp.zeros((_VOCAB_PAD, _FEAT), jnp.float32).at[: cbfv.shape[0]].set(cbfv)
    b_rows = jnp.broadcast_to(b.reshape(1, _DM), (8, _DM))
    table = _fused_table(cbfv_pad, W, b_rows)
    idx2d = idx.reshape(-1, _HALF)
    return _make_gather(batch, seq)(table, idx2d)

# --- scband reference (transcript-rebuilt; emitter-appended) ---
"""Pipeline reference for scband-embedder-74113955660448 (READ-ONLY COPY).

The authoritative reference and input builder live on the scoring server;
editing this copy changes nothing except your own understanding.
"""

import jax, jax.numpy as jnp
import numpy as np

VOCAB = 119  # 118 elements in mat2vec.csv + 1 zero row prepended
FEAT_SIZE = 200  # mat2vec feature dimension
D_MODEL = 128
BATCH = 16384
SEQ = 20


def setup_inputs(seed: int = 0) -> dict:
    key = jax.random.key(seed)
    k1, k2, k3, k4 = jax.random.split(key, 4)
    src = jax.random.randint(k1, (BATCH, SEQ), 0, VOCAB, dtype=jnp.int64 if jax.config.jax_enable_x64 else jnp.int32)
    # cbfv table: row 0 is zeros (pad), remaining rows are the pretrained mat2vec features
    cbfv_body = jax.random.normal(k2, (VOCAB - 1, FEAT_SIZE), dtype=jnp.float32)
    cbfv = jnp.concatenate([jnp.zeros((1, FEAT_SIZE), dtype=jnp.float32), cbfv_body], axis=0)
    # fc_mat2vec: Linear(feat_size, d_model)
    bound = 1.0 / np.sqrt(FEAT_SIZE)
    W = jax.random.uniform(k3, (FEAT_SIZE, D_MODEL), minval=-bound, maxval=bound, dtype=jnp.float32)
    b = jax.random.uniform(k4, (D_MODEL,), minval=-bound, maxval=bound, dtype=jnp.float32)
    return {"src": src, "cbfv": cbfv, "W": W, "b": b}


def reference(src, cbfv, W, b):
    # mat2vec_emb = self.cbfv(src)  -- embedding gather
    mat2vec_emb = jnp.take(cbfv, src, axis=0)  # [B, S, FEAT_SIZE]
    # x_emb = self.fc_mat2vec(mat2vec_emb)
    x_emb = mat2vec_emb @ W + b  # [B, S, D_MODEL]
    return x_emb

if __name__ == "__main__":
    import jax
    _d = setup_inputs()
    print(jax.jit(kernel)(*tuple(_d.values())))

</pallas_src>

<mosaic_0001>
#map = affine_map<(d0, d1) -> (0, 0)>
#map1 = affine_map<(d0, d1) -> (0, 0, 0)>
module attributes {stable_mosaic.version = 14 : i64} {
  func.func @gather(%arg0: i32, %arg1: i32, %arg2: memref<128x128xf32, #tpu.memory_space<hbm>>, %arg3: memref<4096x80xi32, #tpu.memory_space<hbm>>, %arg4: memref<16384x20x128xf32, #tpu.memory_space<hbm>>, %arg5: memref<128x80xi32, #tpu.memory_space<vmem>>, %arg6: memref<128x128xf32, #tpu.memory_space<vmem_shared>>, %arg7: memref<160x128xf32, #tpu.memory_space<vmem>>, %arg8: memref<160x128xf32, #tpu.memory_space<vmem>>, %arg9: memref<160x128xf32, #tpu.memory_space<vmem>>, %arg10: memref<160x128xf32, #tpu.memory_space<vmem>>, %arg11: memref<!tpu.dma_semaphore, #tpu.memory_space<semaphore_mem>>, %arg12: memref<!tpu.dma_semaphore, #tpu.memory_space<semaphore_mem>>, %arg13: memref<!tpu.dma_semaphore, #tpu.memory_space<semaphore_mem>>, %arg14: memref<!tpu.dma_semaphore, #tpu.memory_space<semaphore_mem>>) attributes {dimension_semantics = [#tpu.dimension_semantics<core_parallel>, #tpu.dimension_semantics<subcore_parallel>], iteration_bounds = array<i64: 2, 16>, scalar_prefetch = 0 : i64, scratch_operands = 10 : i64, tpu.core_type = #tpu.core_type<sc_vector_subcore>, window_params = [{transform_indices = #map}, {transform_indices = #map}, {transform_indices = #map1}]} {
    %mul3A = arith.constant 2 : i32
    %mul3A_0 = arith.muli %arg1, %mul3A : i32
    %add3A = arith.addi %mul3A_0, %arg0 : i32
    %mul3A_1 = arith.constant 512 : i32
    %mul3A_2 = arith.muli %add3A, %mul3A_1 : i32
    %eq3A = arith.constant 0 : i32
    %eq3A_3 = arith.cmpi eq, %arg1, %eq3A : i32
    %convert_element_type3A = arith.extui %eq3A_3 : i1 to i32
    %cond3A = arith.constant 0 : i32
    %cond3A_4 = arith.cmpi ne, %convert_element_type3A, %cond3A : i32
    scf.if %cond3A_4 {
      "tpu.region"() ({
        %run_scoped3A = tpu.sem_alloc : memref<!tpu.dma_semaphore, #tpu.memory_space<semaphore_mem>>
        tpu.enqueue_dma source(%arg2 : memref<128x128xf32, #tpu.memory_space<hbm>>) target(%arg6 : memref<128x128xf32, #tpu.memory_space<vmem_shared>>) target_semaphore(%run_scoped3A : memref<!tpu.dma_semaphore, #tpu.memory_space<semaphore_mem>>)
        tpu.wait_dma2 semaphore(%run_scoped3A : memref<!tpu.dma_semaphore, #tpu.memory_space<semaphore_mem>>) src(%arg2 : memref<128x128xf32, #tpu.memory_space<hbm>>) dst(%arg6 : memref<128x128xf32, #tpu.memory_space<vmem_shared>>)
        tpu.yield
      }) : () -> ()
    } else {
    }
    %mul3A_5 = arith.constant 64 : i32
    %mul3A_6 = arith.muli %add3A, %mul3A_5 : i32
    %mul3A_7 = arith.constant 2 : i32
    %mul3A_8 = arith.muli %mul3A_6, %mul3A_7 : i32
    "tpu.region"() ({
      %run_scoped3A = tpu.sem_alloc : memref<!tpu.dma_semaphore, #tpu.memory_space<semaphore_mem>>
      %dma_start3A_196 = arith.constant 0 : i32
      %dma_start3A_197 = tpu.memref_slice %arg3[%mul3A_8, %dma_start3A_196] : memref<4096x80xi32, #tpu.memory_space<hbm>> -> memref<128x80xi32, #tpu.memory_space<hbm>>
      %dma_start3A_198 = arith.constant 0 : i32
      %dma_start3A_199 = tpu.memref_slice %arg3[%mul3A_8, %dma_start3A_198] : memref<4096x80xi32, #tpu.memory_space<hbm>> -> memref<128x80xi32, #tpu.memory_space<hbm>>
      tpu.enqueue_dma source(%dma_start3A_199 : memref<128x80xi32, #tpu.memory_space<hbm>>) target(%arg5 : memref<128x80xi32, #tpu.memory_space<vmem>>) target_semaphore(%run_scoped3A : memref<!tpu.dma_semaphore, #tpu.memory_space<semaphore_mem>>)
      %dma_wait3A_200 = arith.constant 0 : i32
      %dma_wait3A_201 = tpu.memref_slice %arg3[%mul3A_8, %dma_wait3A_200] : memref<4096x80xi32, #tpu.memory_space<hbm>> -> memref<128x80xi32, #tpu.memory_space<hbm>>
      %dma_wait3A_202 = arith.constant 0 : i32
      %dma_wait3A_203 = tpu.memref_slice %arg3[%mul3A_8, %dma_wait3A_202] : memref<4096x80xi32, #tpu.memory_space<hbm>> -> memref<128x80xi32, #tpu.memory_space<hbm>>
      tpu.wait_dma2 semaphore(%run_scoped3A : memref<!tpu.dma_semaphore, #tpu.memory_space<semaphore_mem>>) src(%dma_wait3A_203 : memref<128x80xi32, #tpu.memory_space<hbm>>) dst(%arg5 : memref<128x80xi32, #tpu.memory_space<vmem>>)
      tpu.yield
    }) : () -> ()
    %barrier3A = arith.constant 0 : index
    tpu.barrier barrier_id(%barrier3A)
    %dma_start3A = arith.constant 0 : i32
    %dma_start3A_9 = arith.constant 0 : i32
    %dma_start3A_10 = arith.constant 0 : i32
    %dma_start3A_11 = tpu.memref_slice %arg7[%dma_start3A_9, %dma_start3A_10] : memref<160x128xf32, #tpu.memory_space<vmem>> -> memref<80x128xf32, #tpu.memory_space<vmem>>
    %dma_start3A_12 = arith.constant 0 : i32
    %dma_start3A_13 = tpu.memref_slice %arg5[%dma_start3A, %dma_start3A_12] : memref<128x80xi32, #tpu.memory_space<vmem>> -> memref<1x80xi32, #tpu.memory_space<vmem>>
    %dma_start3A_14 = tpu.memref_squeeze %dma_start3A_13 : memref<1x80xi32, #tpu.memory_space<vmem>> -> memref<80xi32, #tpu.memory_space<vmem>>
    %dma_start3A_15 = arith.constant 0 : i32
    %dma_start3A_16 = arith.constant 0 : i32
    %dma_start3A_17 = tpu.memref_slice %arg6[%dma_start3A_15, %dma_start3A_16] : memref<128x128xf32, #tpu.memory_space<vmem_shared>> -> memref<128x128xf32, #tpu.memory_space<vmem_shared>>
    tpu.enqueue_indirect_dma source(%dma_start3A_17 : memref<128x128xf32, #tpu.memory_space<vmem_shared>>) target(%dma_start3A_11 : memref<80x128xf32, #tpu.memory_space<vmem>>) offsets(%dma_start3A_14 : memref<80xi32, #tpu.memory_space<vmem>>) semaphore(%arg11 : memref<!tpu.dma_semaphore, #tpu.memory_space<semaphore_mem>>)
    %dma_start3A_18 = arith.constant 1 : i32
    %dma_start3A_19 = arith.constant 80 : i32
    %dma_start3A_20 = arith.constant 0 : i32
    %dma_start3A_21 = tpu.memref_slice %arg7[%dma_start3A_19, %dma_start3A_20] : memref<160x128xf32, #tpu.memory_space<vmem>> -> memref<80x128xf32, #tpu.memory_space<vmem>>
    %dma_start3A_22 = arith.constant 0 : i32
    %dma_start3A_23 = tpu.memref_slice %arg5[%dma_start3A_18, %dma_start3A_22] : memref<128x80xi32, #tpu.memory_space<vmem>> -> memref<1x80xi32, #tpu.memory_space<vmem>>
    %dma_start3A_24 = tpu.memref_squeeze %dma_start3A_23 : memref<1x80xi32, #tpu.memory_space<vmem>> -> memref<80xi32, #tpu.memory_space<vmem>>
    %dma_start3A_25 = arith.constant 0 : i32
    %dma_start3A_26 = arith.constant 0 : i32
    %dma_start3A_27 = tpu.memref_slice %arg6[%dma_start3A_25, %dma_start3A_26] : memref<128x128xf32, #tpu.memory_space<vmem_shared>> -> memref<128x128xf32, #tpu.memory_space<vmem_shared>>
    tpu.enqueue_indirect_dma source(%dma_start3A_27 : memref<128x128xf32, #tpu.memory_space<vmem_shared>>) target(%dma_start3A_21 : memref<80x128xf32, #tpu.memory_space<vmem>>) offsets(%dma_start3A_24 : memref<80xi32, #tpu.memory_space<vmem>>) semaphore(%arg11 : memref<!tpu.dma_semaphore, #tpu.memory_space<semaphore_mem>>)
    %dma_start3A_28 = arith.constant 2 : i32
    %dma_start3A_29 = arith.constant 0 : i32
    %dma_start3A_30 = arith.constant 0 : i32
    %dma_start3A_31 = tpu.memref_slice %arg8[%dma_start3A_29, %dma_start3A_30] : memref<160x128xf32, #tpu.memory_space<vmem>> -> memref<80x128xf32, #tpu.memory_space<vmem>>
    %dma_start3A_32 = arith.constant 0 : i32
    %dma_start3A_33 = tpu.memref_slice %arg5[%dma_start3A_28, %dma_start3A_32] : memref<128x80xi32, #tpu.memory_space<vmem>> -> memref<1x80xi32, #tpu.memory_space<vmem>>
    %dma_start3A_34 = tpu.memref_squeeze %dma_start3A_33 : memref<1x80xi32, #tpu.memory_space<vmem>> -> memref<80xi32, #tpu.memory_space<vmem>>
    %dma_start3A_35 = arith.constant 0 : i32
    %dma_start3A_36 = arith.constant 0 : i32
    %dma_start3A_37 = tpu.memref_slice %arg6[%dma_start3A_35, %dma_start3A_36] : memref<128x128xf32, #tpu.memory_space<vmem_shared>> -> memref<128x128xf32, #tpu.memory_space<vmem_shared>>
    tpu.enqueue_indirect_dma source(%dma_start3A_37 : memref<128x128xf32, #tpu.memory_space<vmem_shared>>) target(%dma_start3A_31 : memref<80x128xf32, #tpu.memory_space<vmem>>) offsets(%dma_start3A_34 : memref<80xi32, #tpu.memory_space<vmem>>) semaphore(%arg12 : memref<!tpu.dma_semaphore, #tpu.memory_space<semaphore_mem>>)
    %dma_start3A_38 = arith.constant 3 : i32
    %dma_start3A_39 = arith.constant 80 : i32
    %dma_start3A_40 = arith.constant 0 : i32
    %dma_start3A_41 = tpu.memref_slice %arg8[%dma_start3A_39, %dma_start3A_40] : memref<160x128xf32, #tpu.memory_space<vmem>> -> memref<80x128xf32, #tpu.memory_space<vmem>>
    %dma_start3A_42 = arith.constant 0 : i32
    %dma_start3A_43 = tpu.memref_slice %arg5[%dma_start3A_38, %dma_start3A_42] : memref<128x80xi32, #tpu.memory_space<vmem>> -> memref<1x80xi32, #tpu.memory_space<vmem>>
    %dma_start3A_44 = tpu.memref_squeeze %dma_start3A_43 : memref<1x80xi32, #tpu.memory_space<vmem>> -> memref<80xi32, #tpu.memory_space<vmem>>
    %dma_start3A_45 = arith.constant 0 : i32
    %dma_start3A_46 = arith.constant 0 : i32
    %dma_start3A_47 = tpu.memref_slice %arg6[%dma_start3A_45, %dma_start3A_46] : memref<128x128xf32, #tpu.memory_space<vmem_shared>> -> memref<128x128xf32, #tpu.memory_space<vmem_shared>>
    tpu.enqueue_indirect_dma source(%dma_start3A_47 : memref<128x128xf32, #tpu.memory_space<vmem_shared>>) target(%dma_start3A_41 : memref<80x128xf32, #tpu.memory_space<vmem>>) offsets(%dma_start3A_44 : memref<80xi32, #tpu.memory_space<vmem>>) semaphore(%arg12 : memref<!tpu.dma_semaphore, #tpu.memory_space<semaphore_mem>>)
    %dma_start3A_48 = arith.constant 4 : i32
    %dma_start3A_49 = arith.constant 0 : i32
    %dma_start3A_50 = arith.constant 0 : i32
    %dma_start3A_51 = tpu.memref_slice %arg9[%dma_start3A_49, %dma_start3A_50] : memref<160x128xf32, #tpu.memory_space<vmem>> -> memref<80x128xf32, #tpu.memory_space<vmem>>
    %dma_start3A_52 = arith.constant 0 : i32
    %dma_start3A_53 = tpu.memref_slice %arg5[%dma_start3A_48, %dma_start3A_52] : memref<128x80xi32, #tpu.memory_space<vmem>> -> memref<1x80xi32, #tpu.memory_space<vmem>>
    %dma_start3A_54 = tpu.memref_squeeze %dma_start3A_53 : memref<1x80xi32, #tpu.memory_space<vmem>> -> memref<80xi32, #tpu.memory_space<vmem>>
    %dma_start3A_55 = arith.constant 0 : i32
    %dma_start3A_56 = arith.constant 0 : i32
    %dma_start3A_57 = tpu.memref_slice %arg6[%dma_start3A_55, %dma_start3A_56] : memref<128x128xf32, #tpu.memory_space<vmem_shared>> -> memref<128x128xf32, #tpu.memory_space<vmem_shared>>
    tpu.enqueue_indirect_dma source(%dma_start3A_57 : memref<128x128xf32, #tpu.memory_space<vmem_shared>>) target(%dma_start3A_51 : memref<80x128xf32, #tpu.memory_space<vmem>>) offsets(%dma_start3A_54 : memref<80xi32, #tpu.memory_space<vmem>>) semaphore(%arg13 : memref<!tpu.dma_semaphore, #tpu.memory_space<semaphore_mem>>)
    %dma_start3A_58 = arith.constant 5 : i32
    %dma_start3A_59 = arith.constant 80 : i32
    %dma_start3A_60 = arith.constant 0 : i32
    %dma_start3A_61 = tpu.memref_slice %arg9[%dma_start3A_59, %dma_start3A_60] : memref<160x128xf32, #tpu.memory_space<vmem>> -> memref<80x128xf32, #tpu.memory_space<vmem>>
    %dma_start3A_62 = arith.constant 0 : i32
    %dma_start3A_63 = tpu.memref_slice %arg5[%dma_start3A_58, %dma_start3A_62] : memref<128x80xi32, #tpu.memory_space<vmem>> -> memref<1x80xi32, #tpu.memory_space<vmem>>
    %dma_start3A_64 = tpu.memref_squeeze %dma_start3A_63 : memref<1x80xi32, #tpu.memory_space<vmem>> -> memref<80xi32, #tpu.memory_space<vmem>>
    %dma_start3A_65 = arith.constant 0 : i32
    %dma_start3A_66 = arith.constant 0 : i32
    %dma_start3A_67 = tpu.memref_slice %arg6[%dma_start3A_65, %dma_start3A_66] : memref<128x128xf32, #tpu.memory_space<vmem_shared>> -> memref<128x128xf32, #tpu.memory_space<vmem_shared>>
    tpu.enqueue_indirect_dma source(%dma_start3A_67 : memref<128x128xf32, #tpu.memory_space<vmem_shared>>) target(%dma_start3A_61 : memref<80x128xf32, #tpu.memory_space<vmem>>) offsets(%dma_start3A_64 : memref<80xi32, #tpu.memory_space<vmem>>) semaphore(%arg13 : memref<!tpu.dma_semaphore, #tpu.memory_space<semaphore_mem>>)
    %dma_start3A_68 = arith.constant 6 : i32
    %dma_start3A_69 = arith.constant 0 : i32
    %dma_start3A_70 = arith.constant 0 : i32
    %dma_start3A_71 = tpu.memref_slice %arg10[%dma_start3A_69, %dma_start3A_70] : memref<160x128xf32, #tpu.memory_space<vmem>> -> memref<80x128xf32, #tpu.memory_space<vmem>>
    %dma_start3A_72 = arith.constant 0 : i32
    %dma_start3A_73 = tpu.memref_slice %arg5[%dma_start3A_68, %dma_start3A_72] : memref<128x80xi32, #tpu.memory_space<vmem>> -> memref<1x80xi32, #tpu.memory_space<vmem>>
    %dma_start3A_74 = tpu.memref_squeeze %dma_start3A_73 : memref<1x80xi32, #tpu.memory_space<vmem>> -> memref<80xi32, #tpu.memory_space<vmem>>
    %dma_start3A_75 = arith.constant 0 : i32
    %dma_start3A_76 = arith.constant 0 : i32
    %dma_start3A_77 = tpu.memref_slice %arg6[%dma_start3A_75, %dma_start3A_76] : memref<128x128xf32, #tpu.memory_space<vmem_shared>> -> memref<128x128xf32, #tpu.memory_space<vmem_shared>>
    tpu.enqueue_indirect_dma source(%dma_start3A_77 : memref<128x128xf32, #tpu.memory_space<vmem_shared>>) target(%dma_start3A_71 : memref<80x128xf32, #tpu.memory_space<vmem>>) offsets(%dma_start3A_74 : memref<80xi32, #tpu.memory_space<vmem>>) semaphore(%arg14 : memref<!tpu.dma_semaphore, #tpu.memory_space<semaphore_mem>>)
    %dma_start3A_78 = arith.constant 7 : i32
    %dma_start3A_79 = arith.constant 80 : i32
    %dma_start3A_80 = arith.constant 0 : i32
    %dma_start3A_81 = tpu.memref_slice %arg10[%dma_start3A_79, %dma_start3A_80] : memref<160x128xf32, #tpu.memory_space<vmem>> -> memref<80x128xf32, #tpu.memory_space<vmem>>
    %dma_start3A_82 = arith.constant 0 : i32
    %dma_start3A_83 = tpu.memref_slice %arg5[%dma_start3A_78, %dma_start3A_82] : memref<128x80xi32, #tpu.memory_space<vmem>> -> memref<1x80xi32, #tpu.memory_space<vmem>>
    %dma_start3A_84 = tpu.memref_squeeze %dma_start3A_83 : memref<1x80xi32, #tpu.memory_space<vmem>> -> memref<80xi32, #tpu.memory_space<vmem>>
    %dma_start3A_85 = arith.constant 0 : i32
    %dma_start3A_86 = arith.constant 0 : i32
    %dma_start3A_87 = tpu.memref_slice %arg6[%dma_start3A_85, %dma_start3A_86] : memref<128x128xf32, #tpu.memory_space<vmem_shared>> -> memref<128x128xf32, #tpu.memory_space<vmem_shared>>
    tpu.enqueue_indirect_dma source(%dma_start3A_87 : memref<128x128xf32, #tpu.memory_space<vmem_shared>>) target(%dma_start3A_81 : memref<80x128xf32, #tpu.memory_space<vmem>>) offsets(%dma_start3A_84 : memref<80xi32, #tpu.memory_space<vmem>>) semaphore(%arg14 : memref<!tpu.dma_semaphore, #tpu.memory_space<semaphore_mem>>)
    %scan3A = arith.constant 0 : i32
    %scan3A_88 = arith.constant 0 : i32
    %scan3A_89 = arith.constant 15 : i32
    %scan3A_90 = arith.addi %scan3A_88, %scan3A_89 : i32
    %scan3A_91 = arith.constant 1 : i32
    scf.for %scan3A_196 = %scan3A_88 to %scan3A_90 step %scan3A_91  : i32 {
      %mul3A_197 = arith.constant 4 : i32
      %mul3A_198 = arith.muli %scan3A_196, %mul3A_197 : i32
      %add3A_199 = arith.constant 0 : i32
      %add3A_200 = arith.addi %mul3A_198, %add3A_199 : i32
      %mul3A_201 = arith.constant 2 : i32
      %mul3A_202 = arith.muli %add3A_200, %mul3A_201 : i32
      %add3A_203 = arith.constant 0 : i32
      %add3A_204 = arith.addi %mul3A_202, %add3A_203 : i32
      %dma_wait3A_205 = arith.constant 0 : i32
      %dma_wait3A_206 = arith.constant 0 : i32
      %dma_wait3A_207 = tpu.memref_slice %arg7[%dma_wait3A_205, %dma_wait3A_206] : memref<160x128xf32, #tpu.memory_space<vmem>> -> memref<80x128xf32, #tpu.memory_space<vmem>>
      %dma_wait3A_208 = arith.constant 0 : i32
      %dma_wait3A_209 = tpu.memref_slice %arg5[%add3A_204, %dma_wait3A_208] : memref<128x80xi32, #tpu.memory_space<vmem>> -> memref<1x80xi32, #tpu.memory_space<vmem>>
      %dma_wait3A_210 = tpu.memref_squeeze %dma_wait3A_209 : memref<1x80xi32, #tpu.memory_space<vmem>> -> memref<80xi32, #tpu.memory_space<vmem>>
      %dma_wait3A_211 = arith.constant 0 : i32
      %dma_wait3A_212 = arith.constant 0 : i32
      %dma_wait3A_213 = tpu.memref_slice %arg6[%dma_wait3A_211, %dma_wait3A_212] : memref<128x128xf32, #tpu.memory_space<vmem_shared>> -> memref<128x128xf32, #tpu.memory_space<vmem_shared>>
      tpu.wait_indirect_dma semaphore(%arg11 : memref<!tpu.dma_semaphore, #tpu.memory_space<semaphore_mem>>) src(%dma_wait3A_213 : memref<128x128xf32, #tpu.memory_space<vmem_shared>>) dst(%dma_wait3A_207 : memref<80x128xf32, #tpu.memory_space<vmem>>)
      %mul3A_214 = arith.constant 2 : i32
      %mul3A_215 = arith.muli %add3A_200, %mul3A_214 : i32
      %add3A_216 = arith.constant 1 : i32
      %add3A_217 = arith.addi %mul3A_215, %add3A_216 : i32
      %dma_wait3A_218 = arith.constant 80 : i32
      %dma_wait3A_219 = arith.constant 0 : i32
      %dma_wait3A_220 = tpu.memref_slice %arg7[%dma_wait3A_218, %dma_wait3A_219] : memref<160x128xf32, #tpu.memory_space<vmem>> -> memref<80x128xf32, #tpu.memory_space<vmem>>
      %dma_wait3A_221 = arith.constant 0 : i32
      %dma_wait3A_222 = tpu.memref_slice %arg5[%add3A_217, %dma_wait3A_221] : memref<128x80xi32, #tpu.memory_space<vmem>> -> memref<1x80xi32, #tpu.memory_space<vmem>>
      %dma_wait3A_223 = tpu.memref_squeeze %dma_wait3A_222 : memref<1x80xi32, #tpu.memory_space<vmem>> -> memref<80xi32, #tpu.memory_space<vmem>>
      %dma_wait3A_224 = arith.constant 0 : i32
      %dma_wait3A_225 = arith.constant 0 : i32
      %dma_wait3A_226 = tpu.memref_slice %arg6[%dma_wait3A_224, %dma_wait3A_225] : memref<128x128xf32, #tpu.memory_space<vmem_shared>> -> memref<128x128xf32, #tpu.memory_space<vmem_shared>>
      tpu.wait_indirect_dma semaphore(%arg11 : memref<!tpu.dma_semaphore, #tpu.memory_space<semaphore_mem>>) src(%dma_wait3A_226 : memref<128x128xf32, #tpu.memory_space<vmem_shared>>) dst(%dma_wait3A_220 : memref<80x128xf32, #tpu.memory_space<vmem>>)
      %scan3A_227 = arith.constant 0 : i32
      %scan3A_228 = arith.constant 0 : i32
      %scan3A_229 = arith.constant 8 : i32
      %scan3A_230 = arith.addi %scan3A_228, %scan3A_229 : i32
      %scan3A_231 = arith.constant 1 : i32
      scf.for %scan3A_453 = %scan3A_228 to %scan3A_230 step %scan3A_231  : i32 {
        %mul3A_454 = arith.constant 20 : i32
        %mul3A_455 = arith.muli %scan3A_453, %mul3A_454 : i32
        %mul3A_456 = arith.constant 8 : i32
        %mul3A_457 = arith.muli %add3A_200, %mul3A_456 : i32
        %add3A_458 = arith.addi %mul3A_2, %mul3A_457 : i32
        %add3A_459 = arith.addi %add3A_458, %scan3A_453 : i32
        "tpu.region"() ({
          %run_scoped3A = tpu.sem_alloc : memref<!tpu.dma_semaphore, #tpu.memory_space<semaphore_mem>>
          %dma_start3A_460 = arith.constant 0 : i32
          %dma_start3A_461 = tpu.memref_slice %arg7[%mul3A_455, %dma_start3A_460] : memref<160x128xf32, #tpu.memory_space<vmem>> -> memref<20x128xf32, #tpu.memory_space<vmem>>
          %dma_start3A_462 = arith.constant 0 : i32
          %dma_start3A_463 = arith.constant 0 : i32
          %dma_start3A_464 = tpu.memref_slice %arg4[%add3A_459, %dma_start3A_462, %dma_start3A_463] : memref<16384x20x128xf32, #tpu.memory_space<hbm>> -> memref<1x20x128xf32, #tpu.memory_space<hbm>>
          %dma_start3A_465 = tpu.memref_squeeze %dma_start3A_464 : memref<1x20x128xf32, #tpu.memory_space<hbm>> -> memref<20x128xf32, #tpu.memory_space<hbm>>
          %dma_start3A_466 = arith.constant 0 : i32
          %dma_start3A_467 = arith.constant 0 : i32
          %dma_start3A_468 = tpu.memref_slice %arg4[%add3A_459, %dma_start3A_466, %dma_start3A_467] : memref<16384x20x128xf32, #tpu.memory_space<hbm>> -> memref<1x20x128xf32, #tpu.memory_space<hbm>>
          %dma_start3A_469 = tpu.memref_squeeze %dma_start3A_468 : memref<1x20x128xf32, #tpu.memory_space<hbm>> -> memref<20x128xf32, #tpu.memory_space<hbm>>
          %dma_start3A_470 = arith.constant 0 : i32
          %dma_start3A_471 = tpu.memref_slice %arg7[%mul3A_455, %dma_start3A_470] : memref<160x128xf32, #tpu.memory_space<vmem>> -> memref<20x128xf32, #tpu.memory_space<vmem>>
          tpu.enqueue_dma source(%dma_start3A_471 : memref<20x128xf32, #tpu.memory_space<vmem>>) target(%dma_start3A_469 : memref<20x128xf32, #tpu.memory_space<hbm>>) target_semaphore(%run_scoped3A : memref<!tpu.dma_semaphore, #tpu.memory_space<semaphore_mem>>)
          %dma_wait3A_472 = arith.constant 0 : i32
          %dma_wait3A_473 = tpu.memref_slice %arg7[%mul3A_455, %dma_wait3A_472] : memref<160x128xf32, #tpu.memory_space<vmem>> -> memref<20x128xf32, #tpu.memory_space<vmem>>
          %dma_wait3A_474 = arith.constant 0 : i32
          %dma_wait3A_475 = arith.constant 0 : i32
          %dma_wait3A_476 = tpu.memref_slice %arg4[%add3A_459, %dma_wait3A_474, %dma_wait3A_475] : memref<16384x20x128xf32, #tpu.memory_space<hbm>> -> memref<1x20x128xf32, #tpu.memory_space<hbm>>
          %dma_wait3A_477 = tpu.memref_squeeze %dma_wait3A_476 : memref<1x20x128xf32, #tpu.memory_space<hbm>> -> memref<20x128xf32, #tpu.memory_space<hbm>>
          %dma_wait3A_478 = arith.constant 0 : i32
          %dma_wait3A_479 = arith.constant 0 : i32
          %dma_wait3A_480 = tpu.memref_slice %arg4[%add3A_459, %dma_wait3A_478, %dma_wait3A_479] : memref<16384x20x128xf32, #tpu.memory_space<hbm>> -> memref<1x20x128xf32, #tpu.memory_space<hbm>>
          %dma_wait3A_481 = tpu.memref_squeeze %dma_wait3A_480 : memref<1x20x128xf32, #tpu.memory_space<hbm>> -> memref<20x128xf32, #tpu.memory_space<hbm>>
          %dma_wait3A_482 = arith.constant 0 : i32
          %dma_wait3A_483 = tpu.memref_slice %arg7[%mul3A_455, %dma_wait3A_482] : memref<160x128xf32, #tpu.memory_space<vmem>> -> memref<20x128xf32, #tpu.memory_space<vmem>>
          tpu.wait_dma2 semaphore(%run_scoped3A : memref<!tpu.dma_semaphore, #tpu.memory_space<semaphore_mem>>) src(%dma_wait3A_483 : memref<20x128xf32, #tpu.memory_space<vmem>>) dst(%dma_wait3A_481 : memref<20x128xf32, #tpu.memory_space<hbm>>)
          tpu.yield
        }) : () -> ()
      }
      %scan3A_232 = arith.constant 8 : i32
      %add3A_233 = arith.constant 4 : i32
      %add3A_234 = arith.addi %add3A_200, %add3A_233 : i32
      %mul3A_235 = arith.constant 2 : i32
      %mul3A_236 = arith.muli %add3A_234, %mul3A_235 : i32
      %add3A_237 = arith.constant 0 : i32
      %add3A_238 = arith.addi %mul3A_236, %add3A_237 : i32
      %dma_start3A_239 = arith.constant 0 : i32
      %dma_start3A_240 = arith.constant 0 : i32
      %dma_start3A_241 = tpu.memref_slice %arg7[%dma_start3A_239, %dma_start3A_240] : memref<160x128xf32, #tpu.memory_space<vmem>> -> memref<80x128xf32, #tpu.memory_space<vmem>>
      %dma_start3A_242 = arith.constant 0 : i32
      %dma_start3A_243 = tpu.memref_slice %arg5[%add3A_238, %dma_start3A_242] : memref<128x80xi32, #tpu.memory_space<vmem>> -> memref<1x80xi32, #tpu.memory_space<vmem>>
      %dma_start3A_244 = tpu.memref_squeeze %dma_start3A_243 : memref<1x80xi32, #tpu.memory_space<vmem>> -> memref<80xi32, #tpu.memory_space<vmem>>
      %dma_start3A_245 = arith.constant 0 : i32
      %dma_start3A_246 = arith.constant 0 : i32
      %dma_start3A_247 = tpu.memref_slice %arg6[%dma_start3A_245, %dma_start3A_246] : memref<128x128xf32, #tpu.memory_space<vmem_shared>> -> memref<128x128xf32, #tpu.memory_space<vmem_shared>>
      tpu.enqueue_indirect_dma source(%dma_start3A_247 : memref<128x128xf32, #tpu.memory_space<vmem_shared>>) target(%dma_start3A_241 : memref<80x128xf32, #tpu.memory_space<vmem>>) offsets(%dma_start3A_244 : memref<80xi32, #tpu.memory_space<vmem>>) semaphore(%arg11 : memref<!tpu.dma_semaphore, #tpu.memory_space<semaphore_mem>>)
      %mul3A_248 = arith.constant 2 : i32
      %mul3A_249 = arith.muli %add3A_234, %mul3A_248 : i32
      %add3A_250 = arith.constant 1 : i32
      %add3A_251 = arith.addi %mul3A_249, %add3A_250 : i32
      %dma_start3A_252 = arith.constant 80 : i32
      %dma_start3A_253 = arith.constant 0 : i32
      %dma_start3A_254 = tpu.memref_slice %arg7[%dma_start3A_252, %dma_start3A_253] : memref<160x128xf32, #tpu.memory_space<vmem>> -> memref<80x128xf32, #tpu.memory_space<vmem>>
      %dma_start3A_255 = arith.constant 0 : i32
      %dma_start3A_256 = tpu.memref_slice %arg5[%add3A_251, %dma_start3A_255] : memref<128x80xi32, #tpu.memory_space<vmem>> -> memref<1x80xi32, #tpu.memory_space<vmem>>
      %dma_start3A_257 = tpu.memref_squeeze %dma_start3A_256 : memref<1x80xi32, #tpu.memory_space<vmem>> -> memref<80xi32, #tpu.memory_space<vmem>>
      %dma_start3A_258 = arith.constant 0 : i32
      %dma_start3A_259 = arith.constant 0 : i32
      %dma_start3A_260 = tpu.memref_slice %arg6[%dma_start3A_258, %dma_start3A_259] : memref<128x128xf32, #tpu.memory_space<vmem_shared>> -> memref<128x128xf32, #tpu.memory_space<vmem_shared>>
      tpu.enqueue_indirect_dma source(%dma_start3A_260 : memref<128x128xf32, #tpu.memory_space<vmem_shared>>) target(%dma_start3A_254 : memref<80x128xf32, #tpu.memory_space<vmem>>) offsets(%dma_start3A_257 : memref<80xi32, #tpu.memory_space<vmem>>) semaphore(%arg11 : memref<!tpu.dma_semaphore, #tpu.memory_space<semaphore_mem>>)
      %mul3A_261 = arith.constant 4 : i32
      %mul3A_262 = arith.muli %scan3A_196, %mul3A_261 : i32
      %add3A_263 = arith.constant 1 : i32
      %add3A_264 = arith.addi %mul3A_262, %add3A_263 : i32
      %mul3A_265 = arith.constant 2 : i32
      %mul3A_266 = arith.muli %add3A_264, %mul3A_265 : i32
      %add3A_267 = arith.constant 0 : i32
      %add3A_268 = arith.addi %mul3A_266, %add3A_267 : i32
      %dma_wait3A_269 = arith.constant 0 : i32
      %dma_wait3A_270 = arith.constant 0 : i32
      %dma_wait3A_271 = tpu.memref_slice %arg8[%dma_wait3A_269, %dma_wait3A_270] : memref<160x128xf32, #tpu.memory_space<vmem>> -> memref<80x128xf32, #tpu.memory_space<vmem>>
      %dma_wait3A_272 = arith.constant 0 : i32
      %dma_wait3A_273 = tpu.memref_slice %arg5[%add3A_268, %dma_wait3A_272] : memref<128x80xi32, #tpu.memory_space<vmem>> -> memref<1x80xi32, #tpu.memory_space<vmem>>
      %dma_wait3A_274 = tpu.memref_squeeze %dma_wait3A_273 : memref<1x80xi32, #tpu.memory_space<vmem>> -> memref<80xi32, #tpu.memory_space<vmem>>
      %dma_wait3A_275 = arith.constant 0 : i32
      %dma_wait3A_276 = arith.constant 0 : i32
      %dma_wait3A_277 = tpu.memref_slice %arg6[%dma_wait3A_275, %dma_wait3A_276] : memref<128x128xf32, #tpu.memory_space<vmem_shared>> -> memref<128x128xf32, #tpu.memory_space<vmem_shared>>
      tpu.wait_indirect_dma semaphore(%arg12 : memref<!tpu.dma_semaphore, #tpu.memory_space<semaphore_mem>>) src(%dma_wait3A_277 : memref<128x128xf32, #tpu.memory_space<vmem_shared>>) dst(%dma_wait3A_271 : memref<80x128xf32, #tpu.memory_space<vmem>>)
      %mul3A_278 = arith.constant 2 : i32
      %mul3A_279 = arith.muli %add3A_264, %mul3A_278 : i32
      %add3A_280 = arith.constant 1 : i32
      %add3A_281 = arith.addi %mul3A_279, %add3A_280 : i32
      %dma_wait3A_282 = arith.constant 80 : i32
      %dma_wait3A_283 = arith.constant 0 : i32
      %dma_wait3A_284 = tpu.memref_slice %arg8[%dma_wait3A_282, %dma_wait3A_283] : memref<160x128xf32, #tpu.memory_space<vmem>> -> memref<80x128xf32, #tpu.memory_space<vmem>>
      %dma_wait3A_285 = arith.constant 0 : i32
      %dma_wait3A_286 = tpu.memref_slice %arg5[%add3A_281, %dma_wait3A_285] : memref<128x80xi32, #tpu.memory_space<vmem>> -> memref<1x80xi32, #tpu.memory_space<vmem>>
      %dma_wait3A_287 = tpu.memref_squeeze %dma_wait3A_286 : memref<1x80xi32, #tpu.memory_space<vmem>> -> memref<80xi32, #tpu.memory_space<vmem>>
      %dma_wait3A_288 = arith.constant 0 : i32
      %dma_wait3A_289 = arith.constant 0 : i32
      %dma_wait3A_290 = tpu.memref_slice %arg6[%dma_wait3A_288, %dma_wait3A_289] : memref<128x128xf32, #tpu.memory_space<vmem_shared>> -> memref<128x128xf32, #tpu.memory_space<vmem_shared>>
      tpu.wait_indirect_dma semaphore(%arg12 : memref<!tpu.dma_semaphore, #tpu.memory_space<semaphore_mem>>) src(%dma_wait3A_290 : memref<128x128xf32, #tpu.memory_space<vmem_shared>>) dst(%dma_wait3A_284 : memref<80x128xf32, #tpu.memory_space<vmem>>)
      %scan3A_291 = arith.constant 0 : i32
      %scan3A_292 = arith.constant 0 : i32
      %scan3A_293 = arith.constant 8 : i32
      %scan3A_294 = arith.addi %scan3A_292, %scan3A_293 : i32
      %scan3A_295 = arith.constant 1 : i32
      scf.for %scan3A_453 = %scan3A_292 to %scan3A_294 step %scan3A_295  : i32 {
        %mul3A_454 = arith.constant 20 : i32
        %mul3A_455 = arith.muli %scan3A_453, %mul3A_454 : i32
        %mul3A_456 = arith.constant 8 : i32
        %mul3A_457 = arith.muli %add3A_264, %mul3A_456 : i32
        %add3A_458 = arith.addi %mul3A_2, %mul3A_457 : i32
        %add3A_459 = arith.addi %add3A_458, %scan3A_453 : i32
        "tpu.region"() ({
          %run_scoped3A = tpu.sem_alloc : memref<!tpu.dma_semaphore, #tpu.memory_space<semaphore_mem>>
          %dma_start3A_460 = arith.constant 0 : i32
          %dma_start3A_461 = tpu.memref_slice %arg8[%mul3A_455, %dma_start3A_460] : memref<160x128xf32, #tpu.memory_space<vmem>> -> memref<20x128xf32, #tpu.memory_space<vmem>>
          %dma_start3A_462 = arith.constant 0 : i32
          %dma_start3A_463 = arith.constant 0 : i32
          %dma_start3A_464 = tpu.memref_slice %arg4[%add3A_459, %dma_start3A_462, %dma_start3A_463] : memref<16384x20x128xf32, #tpu.memory_space<hbm>> -> memref<1x20x128xf32, #tpu.memory_space<hbm>>
          %dma_start3A_465 = tpu.memref_squeeze %dma_start3A_464 : memref<1x20x128xf32, #tpu.memory_space<hbm>> -> memref<20x128xf32, #tpu.memory_space<hbm>>
          %dma_start3A_466 = arith.constant 0 : i32
          %dma_start3A_467 = arith.constant 0 : i32
          %dma_start3A_468 = tpu.memref_slice %arg4[%add3A_459, %dma_start3A_466, %dma_start3A_467] : memref<16384x20x128xf32, #tpu.memory_space<hbm>> -> memref<1x20x128xf32, #tpu.memory_space<hbm>>
          %dma_start3A_469 = tpu.memref_squeeze %dma_start3A_468 : memref<1x20x128xf32, #tpu.memory_space<hbm>> -> memref<20x128xf32, #tpu.memory_space<hbm>>
          %dma_start3A_470 = arith.constant 0 : i32
          %dma_start3A_471 = tpu.memref_slice %arg8[%mul3A_455, %dma_start3A_470] : memref<160x128xf32, #tpu.memory_space<vmem>> -> memref<20x128xf32, #tpu.memory_space<vmem>>
          tpu.enqueue_dma source(%dma_start3A_471 : memref<20x128xf32, #tpu.memory_space<vmem>>) target(%dma_start3A_469 : memref<20x128xf32, #tpu.memory_space<hbm>>) target_semaphore(%run_scoped3A : memref<!tpu.dma_semaphore, #tpu.memory_space<semaphore_mem>>)
          %dma_wait3A_472 = arith.constant 0 : i32
          %dma_wait3A_473 = tpu.memref_slice %arg8[%mul3A_455, %dma_wait3A_472] : memref<160x128xf32, #tpu.memory_space<vmem>> -> memref<20x128xf32, #tpu.memory_space<vmem>>
          %dma_wait3A_474 = arith.constant 0 : i32
          %dma_wait3A_475 = arith.constant 0 : i32
          %dma_wait3A_476 = tpu.memref_slice %arg4[%add3A_459, %dma_wait3A_474, %dma_wait3A_475] : memref<16384x20x128xf32, #tpu.memory_space<hbm>> -> memref<1x20x128xf32, #tpu.memory_space<hbm>>
          %dma_wait3A_477 = tpu.memref_squeeze %dma_wait3A_476 : memref<1x20x128xf32, #tpu.memory_space<hbm>> -> memref<20x128xf32, #tpu.memory_space<hbm>>
          %dma_wait3A_478 = arith.constant 0 : i32
          %dma_wait3A_479 = arith.constant 0 : i32
          %dma_wait3A_480 = tpu.memref_slice %arg4[%add3A_459, %dma_wait3A_478, %dma_wait3A_479] : memref<16384x20x128xf32, #tpu.memory_space<hbm>> -> memref<1x20x128xf32, #tpu.memory_space<hbm>>
          %dma_wait3A_481 = tpu.memref_squeeze %dma_wait3A_480 : memref<1x20x128xf32, #tpu.memory_space<hbm>> -> memref<20x128xf32, #tpu.memory_space<hbm>>
          %dma_wait3A_482 = arith.constant 0 : i32
          %dma_wait3A_483 = tpu.memref_slice %arg8[%mul3A_455, %dma_wait3A_482] : memref<160x128xf32, #tpu.memory_space<vmem>> -> memref<20x128xf32, #tpu.memory_space<vmem>>
          tpu.wait_dma2 semaphore(%run_scoped3A : memref<!tpu.dma_semaphore, #tpu.memory_space<semaphore_mem>>) src(%dma_wait3A_483 : memref<20x128xf32, #tpu.memory_space<vmem>>) dst(%dma_wait3A_481 : memref<20x128xf32, #tpu.memory_space<hbm>>)
          tpu.yield
        }) : () -> ()
      }
      %scan3A_296 = arith.constant 8 : i32
      %add3A_297 = arith.constant 4 : i32
      %add3A_298 = arith.addi %add3A_264, %add3A_297 : i32
      %mul3A_299 = arith.constant 2 : i32
      %mul3A_300 = arith.muli %add3A_298, %mul3A_299 : i32
      %add3A_301 = arith.constant 0 : i32
      %add3A_302 = arith.addi %mul3A_300, %add3A_301 : i32
      %dma_start3A_303 = arith.constant 0 : i32
      %dma_start3A_304 = arith.constant 0 : i32
      %dma_start3A_305 = tpu.memref_slice %arg8[%dma_start3A_303, %dma_start3A_304] : memref<160x128xf32, #tpu.memory_space<vmem>> -> memref<80x128xf32, #tpu.memory_space<vmem>>
      %dma_start3A_306 = arith.constant 0 : i32
      %dma_start3A_307 = tpu.memref_slice %arg5[%add3A_302, %dma_start3A_306] : memref<128x80xi32, #tpu.memory_space<vmem>> -> memref<1x80xi32, #tpu.memory_space<vmem>>
      %dma_start3A_308 = tpu.memref_squeeze %dma_start3A_307 : memref<1x80xi32, #tpu.memory_space<vmem>> -> memref<80xi32, #tpu.memory_space<vmem>>
      %dma_start3A_309 = arith.constant 0 : i32
      %dma_start3A_310 = arith.constant 0 : i32
      %dma_start3A_311 = tpu.memref_slice %arg6[%dma_start3A_309, %dma_start3A_310] : memref<128x128xf32, #tpu.memory_space<vmem_shared>> -> memref<128x128xf32, #tpu.memory_space<vmem_shared>>
      tpu.enqueue_indirect_dma source(%dma_start3A_311 : memref<128x128xf32, #tpu.memory_space<vmem_shared>>) target(%dma_start3A_305 : memref<80x128xf32, #tpu.memory_space<vmem>>) offsets(%dma_start3A_308 : memref<80xi32, #tpu.memory_space<vmem>>) semaphore(%arg12 : memref<!tpu.dma_semaphore, #tpu.memory_space<semaphore_mem>>)
      %mul3A_312 = arith.constant 2 : i32
      %mul3A_313 = arith.muli %add3A_298, %mul3A_312 : i32
      %add3A_314 = arith.constant 1 : i32
      %add3A_315 = arith.addi %mul3A_313, %add3A_314 : i32
      %dma_start3A_316 = arith.constant 80 : i32
      %dma_start3A_317 = arith.constant 0 : i32
      %dma_start3A_318 = tpu.memref_slice %arg8[%dma_start3A_316, %dma_start3A_317] : memref<160x128xf32, #tpu.memory_space<vmem>> -> memref<80x128xf32, #tpu.memory_space<vmem>>
      %dma_start3A_319 = arith.constant 0 : i32
      %dma_start3A_320 = tpu.memref_slice %arg5[%add3A_315, %dma_start3A_319] : memref<128x80xi32, #tpu.memory_space<vmem>> -> memref<1x80xi32, #tpu.memory_space<vmem>>
      %dma_start3A_321 = tpu.memref_squeeze %dma_start3A_320 : memref<1x80xi32, #tpu.memory_space<vmem>> -> memref<80xi32, #tpu.memory_space<vmem>>
      %dma_start3A_322 = arith.constant 0 : i32
      %dma_start3A_323 = arith.constant 0 : i32
      %dma_start3A_324 = tpu.memref_slice %arg6[%dma_start3A_322, %dma_start3A_323] : memref<128x128xf32, #tpu.memory_space<vmem_shared>> -> memref<128x128xf32, #tpu.memory_space<vmem_shared>>
      tpu.enqueue_indirect_dma source(%dma_start3A_324 : memref<128x128xf32, #tpu.memory_space<vmem_shared>>) target(%dma_start3A_318 : memref<80x128xf32, #tpu.memory_space<vmem>>) offsets(%dma_start3A_321 : memref<80xi32, #tpu.memory_space<vmem>>) semaphore(%arg12 : memref<!tpu.dma_semaphore, #tpu.memory_space<semaphore_mem>>)
      %mul3A_325 = arith.constant 4 : i32
      %mul3A_326 = arith.muli %scan3A_196, %mul3A_325 : i32
      %add3A_327 = arith.constant 2 : i32
      %add3A_328 = arith.addi %mul3A_326, %add3A_327 : i32
      %mul3A_329 = arith.constant 2 : i32
      %mul3A_330 = arith.muli %add3A_328, %mul3A_329 : i32
      %add3A_331 = arith.constant 0 : i32
      %add3A_332 = arith.addi %mul3A_330, %add3A_331 : i32
      %dma_wait3A_333 = arith.constant 0 : i32
      %dma_wait3A_334 = arith.constant 0 : i32
      %dma_wait3A_335 = tpu.memref_slice %arg9[%dma_wait3A_333, %dma_wait3A_334] : memref<160x128xf32, #tpu.memory_space<vmem>> -> memref<80x128xf32, #tpu.memory_space<vmem>>
      %dma_wait3A_336 = arith.constant 0 : i32
      %dma_wait3A_337 = tpu.memref_slice %arg5[%add3A_332, %dma_wait3A_336] : memref<128x80xi32, #tpu.memory_space<vmem>> -> memref<1x80xi32, #tpu.memory_space<vmem>>
      %dma_wait3A_338 = tpu.memref_squeeze %dma_wait3A_337 : memref<1x80xi32, #tpu.memory_space<vmem>> -> memref<80xi32, #tpu.memory_space<vmem>>
      %dma_wait3A_339 = arith.constant 0 : i32
      %dma_wait3A_340 = arith.constant 0 : i32
      %dma_wait3A_341 = tpu.memref_slice %arg6[%dma_wait3A_339, %dma_wait3A_340] : memref<128x128xf32, #tpu.memory_space<vmem_shared>> -> memref<128x128xf32, #tpu.memory_space<vmem_shared>>
      tpu.wait_indirect_dma semaphore(%arg13 : memref<!tpu.dma_semaphore, #tpu.memory_space<semaphore_mem>>) src(%dma_wait3A_341 : memref<128x128xf32, #tpu.memory_space<vmem_shared>>) dst(%dma_wait3A_335 : memref<80x128xf32, #tpu.memory_space<vmem>>)
      %mul3A_342 = arith.constant 2 : i32
      %mul3A_343 = arith.muli %add3A_328, %mul3A_342 : i32
      %add3A_344 = arith.constant 1 : i32
      %add3A_345 = arith.addi %mul3A_343, %add3A_344 : i32
      %dma_wait3A_346 = arith.constant 80 : i32
      %dma_wait3A_347 = arith.constant 0 : i32
      %dma_wait3A_348 = tpu.memref_slice %arg9[%dma_wait3A_346, %dma_wait3A_347] : memref<160x128xf32, #tpu.memory_space<vmem>> -> memref<80x128xf32, #tpu.memory_space<vmem>>
      %dma_wait3A_349 = arith.constant 0 : i32
      %dma_wait3A_350 = tpu.memref_slice %arg5[%add3A_345, %dma_wait3A_349] : memref<128x80xi32, #tpu.memory_space<vmem>> -> memref<1x80xi32, #tpu.memory_space<vmem>>
      %dma_wait3A_351 = tpu.memref_squeeze %dma_wait3A_350 : memref<1x80xi32, #tpu.memory_space<vmem>> -> memref<80xi32, #tpu.memory_space<vmem>>
      %dma_wait3A_352 = arith.constant 0 : i32
      %dma_wait3A_353 = arith.constant 0 : i32
      %dma_wait3A_354 = tpu.memref_slice %arg6[%dma_wait3A_352, %dma_wait3A_353] : memref<128x128xf32, #tpu.memory_space<vmem_shared>> -> memref<128x128xf32, #tpu.memory_space<vmem_shared>>
      tpu.wait_indirect_dma semaphore(%arg13 : memref<!tpu.dma_semaphore, #tpu.memory_space<semaphore_mem>>) src(%dma_wait3A_354 : memref<128x128xf32, #tpu.memory_space<vmem_shared>>) dst(%dma_wait3A_348 : memref<80x128xf32, #tpu.memory_space<vmem>>)
      %scan3A_355 = arith.constant 0 : i32
      %scan3A_356 = arith.constant 0 : i32
      %scan3A_357 = arith.constant 8 : i32
      %scan3A_358 = arith.addi %scan3A_356, %scan3A_357 : i32
      %scan3A_359 = arith.constant 1 : i32
      scf.for %scan3A_453 = %scan3A_356 to %scan3A_358 step %scan3A_359  : i32 {
        %mul3A_454 = arith.constant 20 : i32
        %mul3A_455 = arith.muli %scan3A_453, %mul3A_454 : i32
        %mul3A_456 = arith.constant 8 : i32
        %mul3A_457 = arith.muli %add3A_328, %mul3A_456 : i32
        %add3A_458 = arith.addi %mul3A_2, %mul3A_457 : i32
        %add3A_459 = arith.addi %add3A_458, %scan3A_453 : i32
        "tpu.region"() ({
          %run_scoped3A = tpu.sem_alloc : memref<!tpu.dma_semaphore, #tpu.memory_space<semaphore_mem>>
          %dma_start3A_460 = arith.constant 0 : i32
          %dma_start3A_461 = tpu.memref_slice %arg9[%mul3A_455, %dma_start3A_460] : memref<160x128xf32, #tpu.memory_space<vmem>> -> memref<20x128xf32, #tpu.memory_space<vmem>>
          %dma_start3A_462 = arith.constant 0 : i32
          %dma_start3A_463 = arith.constant 0 : i32
          %dma_start3A_464 = tpu.memref_slice %arg4[%add3A_459, %dma_start3A_462, %dma_start3A_463] : memref<16384x20x128xf32, #tpu.memory_space<hbm>> -> memref<1x20x128xf32, #tpu.memory_space<hbm>>
          %dma_start3A_465 = tpu.memref_squeeze %dma_start3A_464 : memref<1x20x128xf32, #tpu.memory_space<hbm>> -> memref<20x128xf32, #tpu.memory_space<hbm>>
          %dma_start3A_466 = arith.constant 0 : i32
          %dma_start3A_467 = arith.constant 0 : i32
          %dma_start3A_468 = tpu.memref_slice %arg4[%add3A_459, %dma_start3A_466, %dma_start3A_467] : memref<16384x20x128xf32, #tpu.memory_space<hbm>> -> memref<1x20x128xf32, #tpu.memory_space<hbm>>
          %dma_start3A_469 = tpu.memref_squeeze %dma_start3A_468 : memref<1x20x128xf32, #tpu.memory_space<hbm>> -> memref<20x128xf32, #tpu.memory_space<hbm>>
          %dma_start3A_470 = arith.constant 0 : i32
          %dma_start3A_471 = tpu.memref_slice %arg9[%mul3A_455, %dma_start3A_470] : memref<160x128xf32, #tpu.memory_space<vmem>> -> memref<20x128xf32, #tpu.memory_space<vmem>>
          tpu.enqueue_dma source(%dma_start3A_471 : memref<20x128xf32, #tpu.memory_space<vmem>>) target(%dma_start3A_469 : memref<20x128xf32, #tpu.memory_space<hbm>>) target_semaphore(%run_scoped3A : memref<!tpu.dma_semaphore, #tpu.memory_space<semaphore_mem>>)
          %dma_wait3A_472 = arith.constant 0 : i32
          %dma_wait3A_473 = tpu.memref_slice %arg9[%mul3A_455, %dma_wait3A_472] : memref<160x128xf32, #tpu.memory_space<vmem>> -> memref<20x128xf32, #tpu.memory_space<vmem>>
          %dma_wait3A_474 = arith.constant 0 : i32
          %dma_wait3A_475 = arith.constant 0 : i32
          %dma_wait3A_476 = tpu.memref_slice %arg4[%add3A_459, %dma_wait3A_474, %dma_wait3A_475] : memref<16384x20x128xf32, #tpu.memory_space<hbm>> -> memref<1x20x128xf32, #tpu.memory_space<hbm>>
          %dma_wait3A_477 = tpu.memref_squeeze %dma_wait3A_476 : memref<1x20x128xf32, #tpu.memory_space<hbm>> -> memref<20x128xf32, #tpu.memory_space<hbm>>
          %dma_wait3A_478 = arith.constant 0 : i32
          %dma_wait3A_479 = arith.constant 0 : i32
          %dma_wait3A_480 = tpu.memref_slice %arg4[%add3A_459, %dma_wait3A_478, %dma_wait3A_479] : memref<16384x20x128xf32, #tpu.memory_space<hbm>> -> memref<1x20x128xf32, #tpu.memory_space<hbm>>
          %dma_wait3A_481 = tpu.memref_squeeze %dma_wait3A_480 : memref<1x20x128xf32, #tpu.memory_space<hbm>> -> memref<20x128xf32, #tpu.memory_space<hbm>>
          %dma_wait3A_482 = arith.constant 0 : i32
          %dma_wait3A_483 = tpu.memref_slice %arg9[%mul3A_455, %dma_wait3A_482] : memref<160x128xf32, #tpu.memory_space<vmem>> -> memref<20x128xf32, #tpu.memory_space<vmem>>
          tpu.wait_dma2 semaphore(%run_scoped3A : memref<!tpu.dma_semaphore, #tpu.memory_space<semaphore_mem>>) src(%dma_wait3A_483 : memref<20x128xf32, #tpu.memory_space<vmem>>) dst(%dma_wait3A_481 : memref<20x128xf32, #tpu.memory_space<hbm>>)
          tpu.yield
        }) : () -> ()
      }
      %scan3A_360 = arith.constant 8 : i32
      %add3A_361 = arith.constant 4 : i32
      %add3A_362 = arith.addi %add3A_328, %add3A_361 : i32
      %mul3A_363 = arith.constant 2 : i32
      %mul3A_364 = arith.muli %add3A_362, %mul3A_363 : i32
      %add3A_365 = arith.constant 0 : i32
      %add3A_366 = arith.addi %mul3A_364, %add3A_365 : i32
      %dma_start3A_367 = arith.constant 0 : i32
      %dma_start3A_368 = arith.constant 0 : i32
      %dma_start3A_369 = tpu.memref_slice %arg9[%dma_start3A_367, %dma_start3A_368] : memref<160x128xf32, #tpu.memory_space<vmem>> -> memref<80x128xf32, #tpu.memory_space<vmem>>
      %dma_start3A_370 = arith.constant 0 : i32
      %dma_start3A_371 = tpu.memref_slice %arg5[%add3A_366, %dma_start3A_370] : memref<128x80xi32, #tpu.memory_space<vmem>> -> memref<1x80xi32, #tpu.memory_space<vmem>>
      %dma_start3A_372 = tpu.memref_squeeze %dma_start3A_371 : memref<1x80xi32, #tpu.memory_space<vmem>> -> memref<80xi32, #tpu.memory_space<vmem>>
      %dma_start3A_373 = arith.constant 0 : i32
      %dma_start3A_374 = arith.constant 0 : i32
      %dma_start3A_375 = tpu.memref_slice %arg6[%dma_start3A_373, %dma_start3A_374] : memref<128x128xf32, #tpu.memory_space<vmem_shared>> -> memref<128x128xf32, #tpu.memory_space<vmem_shared>>
      tpu.enqueue_indirect_dma source(%dma_start3A_375 : memref<128x128xf32, #tpu.memory_space<vmem_shared>>) target(%dma_start3A_369 : memref<80x128xf32, #tpu.memory_space<vmem>>) offsets(%dma_start3A_372 : memref<80xi32, #tpu.memory_space<vmem>>) semaphore(%arg13 : memref<!tpu.dma_semaphore, #tpu.memory_space<semaphore_mem>>)
      %mul3A_376 = arith.constant 2 : i32
      %mul3A_377 = arith.muli %add3A_362, %mul3A_376 : i32
      %add3A_378 = arith.constant 1 : i32
      %add3A_379 = arith.addi %mul3A_377, %add3A_378 : i32
      %dma_start3A_380 = arith.constant 80 : i32
      %dma_start3A_381 = arith.constant 0 : i32
      %dma_start3A_382 = tpu.memref_slice %arg9[%dma_start3A_380, %dma_start3A_381] : memref<160x128xf32, #tpu.memory_space<vmem>> -> memref<80x128xf32, #tpu.memory_space<vmem>>
      %dma_start3A_383 = arith.constant 0 : i32
      %dma_start3A_384 = tpu.memref_slice %arg5[%add3A_379, %dma_start3A_383] : memref<128x80xi32, #tpu.memory_space<vmem>> -> memref<1x80xi32, #tpu.memory_space<vmem>>
      %dma_start3A_385 = tpu.memref_squeeze %dma_start3A_384 : memref<1x80xi32, #tpu.memory_space<vmem>> -> memref<80xi32, #tpu.memory_space<vmem>>
      %dma_start3A_386 = arith.constant 0 : i32
      %dma_start3A_387 = arith.constant 0 : i32
      %dma_start3A_388 = tpu.memref_slice %arg6[%dma_start3A_386, %dma_start3A_387] : memref<128x128xf32, #tpu.memory_space<vmem_shared>> -> memref<128x128xf32, #tpu.memory_space<vmem_shared>>
      tpu.enqueue_indirect_dma source(%dma_start3A_388 : memref<128x128xf32, #tpu.memory_space<vmem_shared>>) target(%dma_start3A_382 : memref<80x128xf32, #tpu.memory_space<vmem>>) offsets(%dma_start3A_385 : memref<80xi32, #tpu.memory_space<vmem>>) semaphore(%arg13 : memref<!tpu.dma_semaphore, #tpu.memory_space<semaphore_mem>>)
      %mul3A_389 = arith.constant 4 : i32
      %mul3A_390 = arith.muli %scan3A_196, %mul3A_389 : i32
      %add3A_391 = arith.constant 3 : i32
      %add3A_392 = arith.addi %mul3A_390, %add3A_391 : i32
      %mul3A_393 = arith.constant 2 : i32
      %mul3A_394 = arith.muli %add3A_392, %mul3A_393 : i32
      %add3A_395 = arith.constant 0 : i32
      %add3A_396 = arith.addi %mul3A_394, %add3A_395 : i32
      %dma_wait3A_397 = arith.constant 0 : i32
      %dma_wait3A_398 = arith.constant 0 : i32
      %dma_wait3A_399 = tpu.memref_slice %arg10[%dma_wait3A_397, %dma_wait3A_398] : memref<160x128xf32, #tpu.memory_space<vmem>> -> memref<80x128xf32, #tpu.memory_space<vmem>>
      %dma_wait3A_400 = arith.constant 0 : i32
      %dma_wait3A_401 = tpu.memref_slice %arg5[%add3A_396, %dma_wait3A_400] : memref<128x80xi32, #tpu.memory_space<vmem>> -> memref<1x80xi32, #tpu.memory_space<vmem>>
      %dma_wait3A_402 = tpu.memref_squeeze %dma_wait3A_401 : memref<1x80xi32, #tpu.memory_space<vmem>> -> memref<80xi32, #tpu.memory_space<vmem>>
      %dma_wait3A_403 = arith.constant 0 : i32
      %dma_wait3A_404 = arith.constant 0 : i32
      %dma_wait3A_405 = tpu.memref_slice %arg6[%dma_wait3A_403, %dma_wait3A_404] : memref<128x128xf32, #tpu.memory_space<vmem_shared>> -> memref<128x128xf32, #tpu.memory_space<vmem_shared>>
      tpu.wait_indirect_dma semaphore(%arg14 : memref<!tpu.dma_semaphore, #tpu.memory_space<semaphore_mem>>) src(%dma_wait3A_405 : memref<128x128xf32, #tpu.memory_space<vmem_shared>>) dst(%dma_wait3A_399 : memref<80x128xf32, #tpu.memory_space<vmem>>)
      %mul3A_406 = arith.constant 2 : i32
      %mul3A_407 = arith.muli %add3A_392, %mul3A_406 : i32
      %add3A_408 = arith.constant 1 : i32
      %add3A_409 = arith.addi %mul3A_407, %add3A_408 : i32
      %dma_wait3A_410 = arith.constant 80 : i32
      %dma_wait3A_411 = arith.constant 0 : i32
      %dma_wait3A_412 = tpu.memref_slice %arg10[%dma_wait3A_410, %dma_wait3A_411] : memref<160x128xf32, #tpu.memory_space<vmem>> -> memref<80x128xf32, #tpu.memory_space<vmem>>
      %dma_wait3A_413 = arith.constant 0 : i32
      %dma_wait3A_414 = tpu.memref_slice %arg5[%add3A_409, %dma_wait3A_413] : memref<128x80xi32, #tpu.memory_space<vmem>> -> memref<1x80xi32, #tpu.memory_space<vmem>>
      %dma_wait3A_415 = tpu.memref_squeeze %dma_wait3A_414 : memref<1x80xi32, #tpu.memory_space<vmem>> -> memref<80xi32, #tpu.memory_space<vmem>>
      %dma_wait3A_416 = arith.constant 0 : i32
      %dma_wait3A_417 = arith.constant 0 : i32
      %dma_wait3A_418 = tpu.memref_slice %arg6[%dma_wait3A_416, %dma_wait3A_417] : memref<128x128xf32, #tpu.memory_space<vmem_shared>> -> memref<128x128xf32, #tpu.memory_space<vmem_shared>>
      tpu.wait_indirect_dma semaphore(%arg14 : memref<!tpu.dma_semaphore, #tpu.memory_space<semaphore_mem>>) src(%dma_wait3A_418 : memref<128x128xf32, #tpu.memory_space<vmem_shared>>) dst(%dma_wait3A_412 : memref<80x128xf32, #tpu.memory_space<vmem>>)
      %scan3A_419 = arith.constant 0 : i32
      %scan3A_420 = arith.constant 0 : i32
      %scan3A_421 = arith.constant 8 : i32
      %scan3A_422 = arith.addi %scan3A_420, %scan3A_421 : i32
      %scan3A_423 = arith.constant 1 : i32
      scf.for %scan3A_453 = %scan3A_420 to %scan3A_422 step %scan3A_423  : i32 {
        %mul3A_454 = arith.constant 20 : i32
        %mul3A_455 = arith.muli %scan3A_453, %mul3A_454 : i32
        %mul3A_456 = arith.constant 8 : i32
        %mul3A_457 = arith.muli %add3A_392, %mul3A_456 : i32
        %add3A_458 = arith.addi %mul3A_2, %mul3A_457 : i32
        %add3A_459 = arith.addi %add3A_458, %scan3A_453 : i32
        "tpu.region"() ({
          %run_scoped3A = tpu.sem_alloc : memref<!tpu.dma_semaphore, #tpu.memory_space<semaphore_mem>>
          %dma_start3A_460 = arith.constant 0 : i32
          %dma_start3A_461 = tpu.memref_slice %arg10[%mul3A_455, %dma_start3A_460] : memref<160x128xf32, #tpu.memory_space<vmem>> -> memref<20x128xf32, #tpu.memory_space<vmem>>
          %dma_start3A_462 = arith.constant 0 : i32
          %dma_start3A_463 = arith.constant 0 : i32
          %dma_start3A_464 = tpu.memref_slice %arg4[%add3A_459, %dma_start3A_462, %dma_start3A_463] : memref<16384x20x128xf32, #tpu.memory_space<hbm>> -> memref<1x20x128xf32, #tpu.memory_space<hbm>>
          %dma_start3A_465 = tpu.memref_squeeze %dma_start3A_464 : memref<1x20x128xf32, #tpu.memory_space<hbm>> -> memref<20x128xf32, #tpu.memory_space<hbm>>
          %dma_start3A_466 = arith.constant 0 : i32
          %dma_start3A_467 = arith.constant 0 : i32
          %dma_start3A_468 = tpu.memref_slice %arg4[%add3A_459, %dma_start3A_466, %dma_start3A_467] : memref<16384x20x128xf32, #tpu.memory_space<hbm>> -> memref<1x20x128xf32, #tpu.memory_space<hbm>>
          %dma_start3A_469 = tpu.memref_squeeze %dma_start3A_468 : memref<1x20x128xf32, #tpu.memory_space<hbm>> -> memref<20x128xf32, #tpu.memory_space<hbm>>
          %dma_start3A_470 = arith.constant 0 : i32
          %dma_start3A_471 = tpu.memref_slice %arg10[%mul3A_455, %dma_start3A_470] : memref<160x128xf32, #tpu.memory_space<vmem>> -> memref<20x128xf32, #tpu.memory_space<vmem>>
          tpu.enqueue_dma source(%dma_start3A_471 : memref<20x128xf32, #tpu.memory_space<vmem>>) target(%dma_start3A_469 : memref<20x128xf32, #tpu.memory_space<hbm>>) target_semaphore(%run_scoped3A : memref<!tpu.dma_semaphore, #tpu.memory_space<semaphore_mem>>)
          %dma_wait3A_472 = arith.constant 0 : i32
          %dma_wait3A_473 = tpu.memref_slice %arg10[%mul3A_455, %dma_wait3A_472] : memref<160x128xf32, #tpu.memory_space<vmem>> -> memref<20x128xf32, #tpu.memory_space<vmem>>
          %dma_wait3A_474 = arith.constant 0 : i32
          %dma_wait3A_475 = arith.constant 0 : i32
          %dma_wait3A_476 = tpu.memref_slice %arg4[%add3A_459, %dma_wait3A_474, %dma_wait3A_475] : memref<16384x20x128xf32, #tpu.memory_space<hbm>> -> memref<1x20x128xf32, #tpu.memory_space<hbm>>
          %dma_wait3A_477 = tpu.memref_squeeze %dma_wait3A_476 : memref<1x20x128xf32, #tpu.memory_space<hbm>> -> memref<20x128xf32, #tpu.memory_space<hbm>>
          %dma_wait3A_478 = arith.constant 0 : i32
          %dma_wait3A_479 = arith.constant 0 : i32
          %dma_wait3A_480 = tpu.memref_slice %arg4[%add3A_459, %dma_wait3A_478, %dma_wait3A_479] : memref<16384x20x128xf32, #tpu.memory_space<hbm>> -> memref<1x20x128xf32, #tpu.memory_space<hbm>>
          %dma_wait3A_481 = tpu.memref_squeeze %dma_wait3A_480 : memref<1x20x128xf32, #tpu.memory_space<hbm>> -> memref<20x128xf32, #tpu.memory_space<hbm>>
          %dma_wait3A_482 = arith.constant 0 : i32
          %dma_wait3A_483 = tpu.memref_slice %arg10[%mul3A_455, %dma_wait3A_482] : memref<160x128xf32, #tpu.memory_space<vmem>> -> memref<20x128xf32, #tpu.memory_space<vmem>>
          tpu.wait_dma2 semaphore(%run_scoped3A : memref<!tpu.dma_semaphore, #tpu.memory_space<semaphore_mem>>) src(%dma_wait3A_483 : memref<20x128xf32, #tpu.memory_space<vmem>>) dst(%dma_wait3A_481 : memref<20x128xf32, #tpu.memory_space<hbm>>)
          tpu.yield
        }) : () -> ()
      }
      %scan3A_424 = arith.constant 8 : i32
      %add3A_425 = arith.constant 4 : i32
      %add3A_426 = arith.addi %add3A_392, %add3A_425 : i32
      %mul3A_427 = arith.constant 2 : i32
      %mul3A_428 = arith.muli %add3A_426, %mul3A_427 : i32
      %add3A_429 = arith.constant 0 : i32
      %add3A_430 = arith.addi %mul3A_428, %add3A_429 : i32
      %dma_start3A_431 = arith.constant 0 : i32
      %dma_start3A_432 = arith.constant 0 : i32
      %dma_start3A_433 = tpu.memref_slice %arg10[%dma_start3A_431, %dma_start3A_432] : memref<160x128xf32, #tpu.memory_space<vmem>> -> memref<80x128xf32, #tpu.memory_space<vmem>>
      %dma_start3A_434 = arith.constant 0 : i32
      %dma_start3A_435 = tpu.memref_slice %arg5[%add3A_430, %dma_start3A_434] : memref<128x80xi32, #tpu.memory_space<vmem>> -> memref<1x80xi32, #tpu.memory_space<vmem>>
      %dma_start3A_436 = tpu.memref_squeeze %dma_start3A_435 : memref<1x80xi32, #tpu.memory_space<vmem>> -> memref<80xi32, #tpu.memory_space<vmem>>
      %dma_start3A_437 = arith.constant 0 : i32
      %dma_start3A_438 = arith.constant 0 : i32
      %dma_start3A_439 = tpu.memref_slice %arg6[%dma_start3A_437, %dma_start3A_438] : memref<128x128xf32, #tpu.memory_space<vmem_shared>> -> memref<128x128xf32, #tpu.memory_space<vmem_shared>>
      tpu.enqueue_indirect_dma source(%dma_start3A_439 : memref<128x128xf32, #tpu.memory_space<vmem_shared>>) target(%dma_start3A_433 : memref<80x128xf32, #tpu.memory_space<vmem>>) offsets(%dma_start3A_436 : memref<80xi32, #tpu.memory_space<vmem>>) semaphore(%arg14 : memref<!tpu.dma_semaphore, #tpu.memory_space<semaphore_mem>>)
      %mul3A_440 = arith.constant 2 : i32
      %mul3A_441 = arith.muli %add3A_426, %mul3A_440 : i32
      %add3A_442 = arith.constant 1 : i32
      %add3A_443 = arith.addi %mul3A_441, %add3A_442 : i32
      %dma_start3A_444 = arith.constant 80 : i32
      %dma_start3A_445 = arith.constant 0 : i32
      %dma_start3A_446 = tpu.memref_slice %arg10[%dma_start3A_444, %dma_start3A_445] : memref<160x128xf32, #tpu.memory_space<vmem>> -> memref<80x128xf32, #tpu.memory_space<vmem>>
      %dma_start3A_447 = arith.constant 0 : i32
      %dma_start3A_448 = tpu.memref_slice %arg5[%add3A_443, %dma_start3A_447] : memref<128x80xi32, #tpu.memory_space<vmem>> -> memref<1x80xi32, #tpu.memory_space<vmem>>
      %dma_start3A_449 = tpu.memref_squeeze %dma_start3A_448 : memref<1x80xi32, #tpu.memory_space<vmem>> -> memref<80xi32, #tpu.memory_space<vmem>>
      %dma_start3A_450 = arith.constant 0 : i32
      %dma_start3A_451 = arith.constant 0 : i32
      %dma_start3A_452 = tpu.memref_slice %arg6[%dma_start3A_450, %dma_start3A_451] : memref<128x128xf32, #tpu.memory_space<vmem_shared>> -> memref<128x128xf32, #tpu.memory_space<vmem_shared>>
      tpu.enqueue_indirect_dma source(%dma_start3A_452 : memref<128x128xf32, #tpu.memory_space<vmem_shared>>) target(%dma_start3A_446 : memref<80x128xf32, #tpu.memory_space<vmem>>) offsets(%dma_start3A_449 : memref<80xi32, #tpu.memory_space<vmem>>) semaphore(%arg14 : memref<!tpu.dma_semaphore, #tpu.memory_space<semaphore_mem>>)
    }
    %scan3A_92 = arith.constant 15 : i32
    %dma_wait3A = arith.constant 120 : i32
    %dma_wait3A_93 = arith.constant 0 : i32
    %dma_wait3A_94 = arith.constant 0 : i32
    %dma_wait3A_95 = tpu.memref_slice %arg7[%dma_wait3A_93, %dma_wait3A_94] : memref<160x128xf32, #tpu.memory_space<vmem>> -> memref<80x128xf32, #tpu.memory_space<vmem>>
    %dma_wait3A_96 = arith.constant 0 : i32
    %dma_wait3A_97 = tpu.memref_slice %arg5[%dma_wait3A, %dma_wait3A_96] : memref<128x80xi32, #tpu.memory_space<vmem>> -> memref<1x80xi32, #tpu.memory_space<vmem>>
    %dma_wait3A_98 = tpu.memref_squeeze %dma_wait3A_97 : memref<1x80xi32, #tpu.memory_space<vmem>> -> memref<80xi32, #tpu.memory_space<vmem>>
    %dma_wait3A_99 = arith.constant 0 : i32
    %dma_wait3A_100 = arith.constant 0 : i32
    %dma_wait3A_101 = tpu.memref_slice %arg6[%dma_wait3A_99, %dma_wait3A_100] : memref<128x128xf32, #tpu.memory_space<vmem_shared>> -> memref<128x128xf32, #tpu.memory_space<vmem_shared>>
    tpu.wait_indirect_dma semaphore(%arg11 : memref<!tpu.dma_semaphore, #tpu.memory_space<semaphore_mem>>) src(%dma_wait3A_101 : memref<128x128xf32, #tpu.memory_space<vmem_shared>>) dst(%dma_wait3A_95 : memref<80x128xf32, #tpu.memory_space<vmem>>)
    %dma_wait3A_102 = arith.constant 121 : i32
    %dma_wait3A_103 = arith.constant 80 : i32
    %dma_wait3A_104 = arith.constant 0 : i32
    %dma_wait3A_105 = tpu.memref_slice %arg7[%dma_wait3A_103, %dma_wait3A_104] : memref<160x128xf32, #tpu.memory_space<vmem>> -> memref<80x128xf32, #tpu.memory_space<vmem>>
    %dma_wait3A_106 = arith.constant 0 : i32
    %dma_wait3A_107 = tpu.memref_slice %arg5[%dma_wait3A_102, %dma_wait3A_106] : memref<128x80xi32, #tpu.memory_space<vmem>> -> memref<1x80xi32, #tpu.memory_space<vmem>>
    %dma_wait3A_108 = tpu.memref_squeeze %dma_wait3A_107 : memref<1x80xi32, #tpu.memory_space<vmem>> -> memref<80xi32, #tpu.memory_space<vmem>>
    %dma_wait3A_109 = arith.constant 0 : i32
    %dma_wait3A_110 = arith.constant 0 : i32
    %dma_wait3A_111 = tpu.memref_slice %arg6[%dma_wait3A_109, %dma_wait3A_110] : memref<128x128xf32, #tpu.memory_space<vmem_shared>> -> memref<128x128xf32, #tpu.memory_space<vmem_shared>>
    tpu.wait_indirect_dma semaphore(%arg11 : memref<!tpu.dma_semaphore, #tpu.memory_space<semaphore_mem>>) src(%dma_wait3A_111 : memref<128x128xf32, #tpu.memory_space<vmem_shared>>) dst(%dma_wait3A_105 : memref<80x128xf32, #tpu.memory_space<vmem>>)
    %scan3A_112 = arith.constant 0 : i32
    %scan3A_113 = arith.constant 0 : i32
    %scan3A_114 = arith.constant 8 : i32
    %scan3A_115 = arith.addi %scan3A_113, %scan3A_114 : i32
    %scan3A_116 = arith.constant 1 : i32
    scf.for %scan3A_196 = %scan3A_113 to %scan3A_115 step %scan3A_116  : i32 {
      %mul3A_197 = arith.constant 20 : i32
      %mul3A_198 = arith.muli %scan3A_196, %mul3A_197 : i32
      %add3A_199 = arith.constant 480 : i32
      %add3A_200 = arith.addi %mul3A_2, %add3A_199 : i32
      %add3A_201 = arith.addi %add3A_200, %scan3A_196 : i32
      "tpu.region"() ({
        %run_scoped3A = tpu.sem_alloc : memref<!tpu.dma_semaphore, #tpu.memory_space<semaphore_mem>>
        %dma_start3A_202 = arith.constant 0 : i32
        %dma_start3A_203 = tpu.memref_slice %arg7[%mul3A_198, %dma_start3A_202] : memref<160x128xf32, #tpu.memory_space<vmem>> -> memref<20x128xf32, #tpu.memory_space<vmem>>
        %dma_start3A_204 = arith.constant 0 : i32
        %dma_start3A_205 = arith.constant 0 : i32
        %dma_start3A_206 = tpu.memref_slice %arg4[%add3A_201, %dma_start3A_204, %dma_start3A_205] : memref<16384x20x128xf32, #tpu.memory_space<hbm>> -> memref<1x20x128xf32, #tpu.memory_space<hbm>>
        %dma_start3A_207 = tpu.memref_squeeze %dma_start3A_206 : memref<1x20x128xf32, #tpu.memory_space<hbm>> -> memref<20x128xf32, #tpu.memory_space<hbm>>
        %dma_start3A_208 = arith.constant 0 : i32
        %dma_start3A_209 = arith.constant 0 : i32
        %dma_start3A_210 = tpu.memref_slice %arg4[%add3A_201, %dma_start3A_208, %dma_start3A_209] : memref<16384x20x128xf32, #tpu.memory_space<hbm>> -> memref<1x20x128xf32, #tpu.memory_space<hbm>>
        %dma_start3A_211 = tpu.memref_squeeze %dma_start3A_210 : memref<1x20x128xf32, #tpu.memory_space<hbm>> -> memref<20x128xf32, #tpu.memory_space<hbm>>
        %dma_start3A_212 = arith.constant 0 : i32
        %dma_start3A_213 = tpu.memref_slice %arg7[%mul3A_198, %dma_start3A_212] : memref<160x128xf32, #tpu.memory_space<vmem>> -> memref<20x128xf32, #tpu.memory_space<vmem>>
        tpu.enqueue_dma source(%dma_start3A_213 : memref<20x128xf32, #tpu.memory_space<vmem>>) target(%dma_start3A_211 : memref<20x128xf32, #tpu.memory_space<hbm>>) target_semaphore(%run_scoped3A : memref<!tpu.dma_semaphore, #tpu.memory_space<semaphore_mem>>)
        %dma_wait3A_214 = arith.constant 0 : i32
        %dma_wait3A_215 = tpu.memref_slice %arg7[%mul3A_198, %dma_wait3A_214] : memref<160x128xf32, #tpu.memory_space<vmem>> -> memref<20x128xf32, #tpu.memory_space<vmem>>
        %dma_wait3A_216 = arith.constant 0 : i32
        %dma_wait3A_217 = arith.constant 0 : i32
        %dma_wait3A_218 = tpu.memref_slice %arg4[%add3A_201, %dma_wait3A_216, %dma_wait3A_217] : memref<16384x20x128xf32, #tpu.memory_space<hbm>> -> memref<1x20x128xf32, #tpu.memory_space<hbm>>
        %dma_wait3A_219 = tpu.memref_squeeze %dma_wait3A_218 : memref<1x20x128xf32, #tpu.memory_space<hbm>> -> memref<20x128xf32, #tpu.memory_space<hbm>>
        %dma_wait3A_220 = arith.constant 0 : i32
        %dma_wait3A_221 = arith.constant 0 : i32
        %dma_wait3A_222 = tpu.memref_slice %arg4[%add3A_201, %dma_wait3A_220, %dma_wait3A_221] : memref<16384x20x128xf32, #tpu.memory_space<hbm>> -> memref<1x20x128xf32, #tpu.memory_space<hbm>>
        %dma_wait3A_223 = tpu.memref_squeeze %dma_wait3A_222 : memref<1x20x128xf32, #tpu.memory_space<hbm>> -> memref<20x128xf32, #tpu.memory_space<hbm>>
        %dma_wait3A_224 = arith.constant 0 : i32
        %dma_wait3A_225 = tpu.memref_slice %arg7[%mul3A_198, %dma_wait3A_224] : memref<160x128xf32, #tpu.memory_space<vmem>> -> memref<20x128xf32, #tpu.memory_space<vmem>>
        tpu.wait_dma2 semaphore(%run_scoped3A : memref<!tpu.dma_semaphore, #tpu.memory_space<semaphore_mem>>) src(%dma_wait3A_225 : memref<20x128xf32, #tpu.memory_space<vmem>>) dst(%dma_wait3A_223 : memref<20x128xf32, #tpu.memory_space<hbm>>)
        tpu.yield
      }) : () -> ()
    }
    %scan3A_117 = arith.constant 8 : i32
    %dma_wait3A_118 = arith.constant 122 : i32
    %dma_wait3A_119 = arith.constant 0 : i32
    %dma_wait3A_120 = arith.constant 0 : i32
    %dma_wait3A_121 = tpu.memref_slice %arg8[%dma_wait3A_119, %dma_wait3A_120] : memref<160x128xf32, #tpu.memory_space<vmem>> -> memref<80x128xf32, #tpu.memory_space<vmem>>
    %dma_wait3A_122 = arith.constant 0 : i32
    %dma_wait3A_123 = tpu.memref_slice %arg5[%dma_wait3A_118, %dma_wait3A_122] : memref<128x80xi32, #tpu.memory_space<vmem>> -> memref<1x80xi32, #tpu.memory_space<vmem>>
    %dma_wait3A_124 = tpu.memref_squeeze %dma_wait3A_123 : memref<1x80xi32, #tpu.memory_space<vmem>> -> memref<80xi32, #tpu.memory_space<vmem>>
    %dma_wait3A_125 = arith.constant 0 : i32
    %dma_wait3A_126 = arith.constant 0 : i32
    %dma_wait3A_127 = tpu.memref_slice %arg6[%dma_wait3A_125, %dma_wait3A_126] : memref<128x128xf32, #tpu.memory_space<vmem_shared>> -> memref<128x128xf32, #tpu.memory_space<vmem_shared>>
    tpu.wait_indirect_dma semaphore(%arg12 : memref<!tpu.dma_semaphore, #tpu.memory_space<semaphore_mem>>) src(%dma_wait3A_127 : memref<128x128xf32, #tpu.memory_space<vmem_shared>>) dst(%dma_wait3A_121 : memref<80x128xf32, #tpu.memory_space<vmem>>)
    %dma_wait3A_128 = arith.constant 123 : i32
    %dma_wait3A_129 = arith.constant 80 : i32
    %dma_wait3A_130 = arith.constant 0 : i32
    %dma_wait3A_131 = tpu.memref_slice %arg8[%dma_wait3A_129, %dma_wait3A_130] : memref<160x128xf32, #tpu.memory_space<vmem>> -> memref<80x128xf32, #tpu.memory_space<vmem>>
    %dma_wait3A_132 = arith.constant 0 : i32
    %dma_wait3A_133 = tpu.memref_slice %arg5[%dma_wait3A_128, %dma_wait3A_132] : memref<128x80xi32, #tpu.memory_space<vmem>> -> memref<1x80xi32, #tpu.memory_space<vmem>>
    %dma_wait3A_134 = tpu.memref_squeeze %dma_wait3A_133 : memref<1x80xi32, #tpu.memory_space<vmem>> -> memref<80xi32, #tpu.memory_space<vmem>>
    %dma_wait3A_135 = arith.constant 0 : i32
    %dma_wait3A_136 = arith.constant 0 : i32
    %dma_wait3A_137 = tpu.memref_slice %arg6[%dma_wait3A_135, %dma_wait3A_136] : memref<128x128xf32, #tpu.memory_space<vmem_shared>> -> memref<128x128xf32, #tpu.memory_space<vmem_shared>>
    tpu.wait_indirect_dma semaphore(%arg12 : memref<!tpu.dma_semaphore, #tpu.memory_space<semaphore_mem>>) src(%dma_wait3A_137 : memref<128x128xf32, #tpu.memory_space<vmem_shared>>) dst(%dma_wait3A_131 : memref<80x128xf32, #tpu.memory_space<vmem>>)
    %scan3A_138 = arith.constant 0 : i32
    %scan3A_139 = arith.constant 0 : i32
    %scan3A_140 = arith.constant 8 : i32
    %scan3A_141 = arith.addi %scan3A_139, %scan3A_140 : i32
    %scan3A_142 = arith.constant 1 : i32
    scf.for %scan3A_196 = %scan3A_139 to %scan3A_141 step %scan3A_142  : i32 {
      %mul3A_197 = arith.constant 20 : i32
      %mul3A_198 = arith.muli %scan3A_196, %mul3A_197 : i32
      %add3A_199 = arith.constant 488 : i32
      %add3A_200 = arith.addi %mul3A_2, %add3A_199 : i32
      %add3A_201 = arith.addi %add3A_200, %scan3A_196 : i32
      "tpu.region"() ({
        %run_scoped3A = tpu.sem_alloc : memref<!tpu.dma_semaphore, #tpu.memory_space<semaphore_mem>>
        %dma_start3A_202 = arith.constant 0 : i32
        %dma_start3A_203 = tpu.memref_slice %arg8[%mul3A_198, %dma_start3A_202] : memref<160x128xf32, #tpu.memory_space<vmem>> -> memref<20x128xf32, #tpu.memory_space<vmem>>
        %dma_start3A_204 = arith.constant 0 : i32
        %dma_start3A_205 = arith.constant 0 : i32
        %dma_start3A_206 = tpu.memref_slice %arg4[%add3A_201, %dma_start3A_204, %dma_start3A_205] : memref<16384x20x128xf32, #tpu.memory_space<hbm>> -> memref<1x20x128xf32, #tpu.memory_space<hbm>>
        %dma_start3A_207 = tpu.memref_squeeze %dma_start3A_206 : memref<1x20x128xf32, #tpu.memory_space<hbm>> -> memref<20x128xf32, #tpu.memory_space<hbm>>
        %dma_start3A_208 = arith.constant 0 : i32
        %dma_start3A_209 = arith.constant 0 : i32
        %dma_start3A_210 = tpu.memref_slice %arg4[%add3A_201, %dma_start3A_208, %dma_start3A_209] : memref<16384x20x128xf32, #tpu.memory_space<hbm>> -> memref<1x20x128xf32, #tpu.memory_space<hbm>>
        %dma_start3A_211 = tpu.memref_squeeze %dma_start3A_210 : memref<1x20x128xf32, #tpu.memory_space<hbm>> -> memref<20x128xf32, #tpu.memory_space<hbm>>
        %dma_start3A_212 = arith.constant 0 : i32
        %dma_start3A_213 = tpu.memref_slice %arg8[%mul3A_198, %dma_start3A_212] : memref<160x128xf32, #tpu.memory_space<vmem>> -> memref<20x128xf32, #tpu.memory_space<vmem>>
        tpu.enqueue_dma source(%dma_start3A_213 : memref<20x128xf32, #tpu.memory_space<vmem>>) target(%dma_start3A_211 : memref<20x128xf32, #tpu.memory_space<hbm>>) target_semaphore(%run_scoped3A : memref<!tpu.dma_semaphore, #tpu.memory_space<semaphore_mem>>)
        %dma_wait3A_214 = arith.constant 0 : i32
        %dma_wait3A_215 = tpu.memref_slice %arg8[%mul3A_198, %dma_wait3A_214] : memref<160x128xf32, #tpu.memory_space<vmem>> -> memref<20x128xf32, #tpu.memory_space<vmem>>
        %dma_wait3A_216 = arith.constant 0 : i32
        %dma_wait3A_217 = arith.constant 0 : i32
        %dma_wait3A_218 = tpu.memref_slice %arg4[%add3A_201, %dma_wait3A_216, %dma_wait3A_217] : memref<16384x20x128xf32, #tpu.memory_space<hbm>> -> memref<1x20x128xf32, #tpu.memory_space<hbm>>
        %dma_wait3A_219 = tpu.memref_squeeze %dma_wait3A_218 : memref<1x20x128xf32, #tpu.memory_space<hbm>> -> memref<20x128xf32, #tpu.memory_space<hbm>>
        %dma_wait3A_220 = arith.constant 0 : i32
        %dma_wait3A_221 = arith.constant 0 : i32
        %dma_wait3A_222 = tpu.memref_slice %arg4[%add3A_201, %dma_wait3A_220, %dma_wait3A_221] : memref<16384x20x128xf32, #tpu.memory_space<hbm>> -> memref<1x20x128xf32, #tpu.memory_space<hbm>>
        %dma_wait3A_223 = tpu.memref_squeeze %dma_wait3A_222 : memref<1x20x128xf32, #tpu.memory_space<hbm>> -> memref<20x128xf32, #tpu.memory_space<hbm>>
        %dma_wait3A_224 = arith.constant 0 : i32
        %dma_wait3A_225 = tpu.memref_slice %arg8[%mul3A_198, %dma_wait3A_224] : memref<160x128xf32, #tpu.memory_space<vmem>> -> memref<20x128xf32, #tpu.memory_space<vmem>>
        tpu.wait_dma2 semaphore(%run_scoped3A : memref<!tpu.dma_semaphore, #tpu.memory_space<semaphore_mem>>) src(%dma_wait3A_225 : memref<20x128xf32, #tpu.memory_space<vmem>>) dst(%dma_wait3A_223 : memref<20x128xf32, #tpu.memory_space<hbm>>)
        tpu.yield
      }) : () -> ()
    }
    %scan3A_143 = arith.constant 8 : i32
    %dma_wait3A_144 = arith.constant 124 : i32
    %dma_wait3A_145 = arith.constant 0 : i32
    %dma_wait3A_146 = arith.constant 0 : i32
    %dma_wait3A_147 = tpu.memref_slice %arg9[%dma_wait3A_145, %dma_wait3A_146] : memref<160x128xf32, #tpu.memory_space<vmem>> -> memref<80x128xf32, #tpu.memory_space<vmem>>
    %dma_wait3A_148 = arith.constant 0 : i32
    %dma_wait3A_149 = tpu.memref_slice %arg5[%dma_wait3A_144, %dma_wait3A_148] : memref<128x80xi32, #tpu.memory_space<vmem>> -> memref<1x80xi32, #tpu.memory_space<vmem>>
    %dma_wait3A_150 = tpu.memref_squeeze %dma_wait3A_149 : memref<1x80xi32, #tpu.memory_space<vmem>> -> memref<80xi32, #tpu.memory_space<vmem>>
    %dma_wait3A_151 = arith.constant 0 : i32
    %dma_wait3A_152 = arith.constant 0 : i32
    %dma_wait3A_153 = tpu.memref_slice %arg6[%dma_wait3A_151, %dma_wait3A_152] : memref<128x128xf32, #tpu.memory_space<vmem_shared>> -> memref<128x128xf32, #tpu.memory_space<vmem_shared>>
    tpu.wait_indirect_dma semaphore(%arg13 : memref<!tpu.dma_semaphore, #tpu.memory_space<semaphore_mem>>) src(%dma_wait3A_153 : memref<128x128xf32, #tpu.memory_space<vmem_shared>>) dst(%dma_wait3A_147 : memref<80x128xf32, #tpu.memory_space<vmem>>)
    %dma_wait3A_154 = arith.constant 125 : i32
    %dma_wait3A_155 = arith.constant 80 : i32
    %dma_wait3A_156 = arith.constant 0 : i32
    %dma_wait3A_157 = tpu.memref_slice %arg9[%dma_wait3A_155, %dma_wait3A_156] : memref<160x128xf32, #tpu.memory_space<vmem>> -> memref<80x128xf32, #tpu.memory_space<vmem>>
    %dma_wait3A_158 = arith.constant 0 : i32
    %dma_wait3A_159 = tpu.memref_slice %arg5[%dma_wait3A_154, %dma_wait3A_158] : memref<128x80xi32, #tpu.memory_space<vmem>> -> memref<1x80xi32, #tpu.memory_space<vmem>>
    %dma_wait3A_160 = tpu.memref_squeeze %dma_wait3A_159 : memref<1x80xi32, #tpu.memory_space<vmem>> -> memref<80xi32, #tpu.memory_space<vmem>>
    %dma_wait3A_161 = arith.constant 0 : i32
    %dma_wait3A_162 = arith.constant 0 : i32
    %dma_wait3A_163 = tpu.memref_slice %arg6[%dma_wait3A_161, %dma_wait3A_162] : memref<128x128xf32, #tpu.memory_space<vmem_shared>> -> memref<128x128xf32, #tpu.memory_space<vmem_shared>>
    tpu.wait_indirect_dma semaphore(%arg13 : memref<!tpu.dma_semaphore, #tpu.memory_space<semaphore_mem>>) src(%dma_wait3A_163 : memref<128x128xf32, #tpu.memory_space<vmem_shared>>) dst(%dma_wait3A_157 : memref<80x128xf32, #tpu.memory_space<vmem>>)
    %scan3A_164 = arith.constant 0 : i32
    %scan3A_165 = arith.constant 0 : i32
    %scan3A_166 = arith.constant 8 : i32
    %scan3A_167 = arith.addi %scan3A_165, %scan3A_166 : i32
    %scan3A_168 = arith.constant 1 : i32
    scf.for %scan3A_196 = %scan3A_165 to %scan3A_167 step %scan3A_168  : i32 {
      %mul3A_197 = arith.constant 20 : i32
      %mul3A_198 = arith.muli %scan3A_196, %mul3A_197 : i32
      %add3A_199 = arith.constant 496 : i32
      %add3A_200 = arith.addi %mul3A_2, %add3A_199 : i32
      %add3A_201 = arith.addi %add3A_200, %scan3A_196 : i32
      "tpu.region"() ({
        %run_scoped3A = tpu.sem_alloc : memref<!tpu.dma_semaphore, #tpu.memory_space<semaphore_mem>>
        %dma_start3A_202 = arith.constant 0 : i32
        %dma_start3A_203 = tpu.memref_slice %arg9[%mul3A_198, %dma_start3A_202] : memref<160x128xf32, #tpu.memory_space<vmem>> -> memref<20x128xf32, #tpu.memory_space<vmem>>
        %dma_start3A_204 = arith.constant 0 : i32
        %dma_start3A_205 = arith.constant 0 : i32
        %dma_start3A_206 = tpu.memref_slice %arg4[%add3A_201, %dma_start3A_204, %dma_start3A_205] : memref<16384x20x128xf32, #tpu.memory_space<hbm>> -> memref<1x20x128xf32, #tpu.memory_space<hbm>>
        %dma_start3A_207 = tpu.memref_squeeze %dma_start3A_206 : memref<1x20x128xf32, #tpu.memory_space<hbm>> -> memref<20x128xf32, #tpu.memory_space<hbm>>
        %dma_start3A_208 = arith.constant 0 : i32
        %dma_start3A_209 = arith.constant 0 : i32
        %dma_start3A_210 = tpu.memref_slice %arg4[%add3A_201, %dma_start3A_208, %dma_start3A_209] : memref<16384x20x128xf32, #tpu.memory_space<hbm>> -> memref<1x20x128xf32, #tpu.memory_space<hbm>>
        %dma_start3A_211 = tpu.memref_squeeze %dma_start3A_210 : memref<1x20x128xf32, #tpu.memory_space<hbm>> -> memref<20x128xf32, #tpu.memory_space<hbm>>
        %dma_start3A_212 = arith.constant 0 : i32
        %dma_start3A_213 = tpu.memref_slice %arg9[%mul3A_198, %dma_start3A_212] : memref<160x128xf32, #tpu.memory_space<vmem>> -> memref<20x128xf32, #tpu.memory_space<vmem>>
        tpu.enqueue_dma source(%dma_start3A_213 : memref<20x128xf32, #tpu.memory_space<vmem>>) target(%dma_start3A_211 : memref<20x128xf32, #tpu.memory_space<hbm>>) target_semaphore(%run_scoped3A : memref<!tpu.dma_semaphore, #tpu.memory_space<semaphore_mem>>)
        %dma_wait3A_214 = arith.constant 0 : i32
        %dma_wait3A_215 = tpu.memref_slice %arg9[%mul3A_198, %dma_wait3A_214] : memref<160x128xf32, #tpu.memory_space<vmem>> -> memref<20x128xf32, #tpu.memory_space<vmem>>
        %dma_wait3A_216 = arith.constant 0 : i32
        %dma_wait3A_217 = arith.constant 0 : i32
        %dma_wait3A_218 = tpu.memref_slice %arg4[%add3A_201, %dma_wait3A_216, %dma_wait3A_217] : memref<16384x20x128xf32, #tpu.memory_space<hbm>> -> memref<1x20x128xf32, #tpu.memory_space<hbm>>
        %dma_wait3A_219 = tpu.memref_squeeze %dma_wait3A_218 : memref<1x20x128xf32, #tpu.memory_space<hbm>> -> memref<20x128xf32, #tpu.memory_space<hbm>>
        %dma_wait3A_220 = arith.constant 0 : i32
        %dma_wait3A_221 = arith.constant 0 : i32
        %dma_wait3A_222 = tpu.memref_slice %arg4[%add3A_201, %dma_wait3A_220, %dma_wait3A_221] : memref<16384x20x128xf32, #tpu.memory_space<hbm>> -> memref<1x20x128xf32, #tpu.memory_space<hbm>>
        %dma_wait3A_223 = tpu.memref_squeeze %dma_wait3A_222 : memref<1x20x128xf32, #tpu.memory_space<hbm>> -> memref<20x128xf32, #tpu.memory_space<hbm>>
        %dma_wait3A_224 = arith.constant 0 : i32
        %dma_wait3A_225 = tpu.memref_slice %arg9[%mul3A_198, %dma_wait3A_224] : memref<160x128xf32, #tpu.memory_space<vmem>> -> memref<20x128xf32, #tpu.memory_space<vmem>>
        tpu.wait_dma2 semaphore(%run_scoped3A : memref<!tpu.dma_semaphore, #tpu.memory_space<semaphore_mem>>) src(%dma_wait3A_225 : memref<20x128xf32, #tpu.memory_space<vmem>>) dst(%dma_wait3A_223 : memref<20x128xf32, #tpu.memory_space<hbm>>)
        tpu.yield
      }) : () -> ()
    }
    %scan3A_169 = arith.constant 8 : i32
    %dma_wait3A_170 = arith.constant 126 : i32
    %dma_wait3A_171 = arith.constant 0 : i32
    %dma_wait3A_172 = arith.constant 0 : i32
    %dma_wait3A_173 = tpu.memref_slice %arg10[%dma_wait3A_171, %dma_wait3A_172] : memref<160x128xf32, #tpu.memory_space<vmem>> -> memref<80x128xf32, #tpu.memory_space<vmem>>
    %dma_wait3A_174 = arith.constant 0 : i32
    %dma_wait3A_175 = tpu.memref_slice %arg5[%dma_wait3A_170, %dma_wait3A_174] : memref<128x80xi32, #tpu.memory_space<vmem>> -> memref<1x80xi32, #tpu.memory_space<vmem>>
    %dma_wait3A_176 = tpu.memref_squeeze %dma_wait3A_175 : memref<1x80xi32, #tpu.memory_space<vmem>> -> memref<80xi32, #tpu.memory_space<vmem>>
    %dma_wait3A_177 = arith.constant 0 : i32
    %dma_wait3A_178 = arith.constant 0 : i32
    %dma_wait3A_179 = tpu.memref_slice %arg6[%dma_wait3A_177, %dma_wait3A_178] : memref<128x128xf32, #tpu.memory_space<vmem_shared>> -> memref<128x128xf32, #tpu.memory_space<vmem_shared>>
    tpu.wait_indirect_dma semaphore(%arg14 : memref<!tpu.dma_semaphore, #tpu.memory_space<semaphore_mem>>) src(%dma_wait3A_179 : memref<128x128xf32, #tpu.memory_space<vmem_shared>>) dst(%dma_wait3A_173 : memref<80x128xf32, #tpu.memory_space<vmem>>)
    %dma_wait3A_180 = arith.constant 127 : i32
    %dma_wait3A_181 = arith.constant 80 : i32
    %dma_wait3A_182 = arith.constant 0 : i32
    %dma_wait3A_183 = tpu.memref_slice %arg10[%dma_wait3A_181, %dma_wait3A_182] : memref<160x128xf32, #tpu.memory_space<vmem>> -> memref<80x128xf32, #tpu.memory_space<vmem>>
    %dma_wait3A_184 = arith.constant 0 : i32
    %dma_wait3A_185 = tpu.memref_slice %arg5[%dma_wait3A_180, %dma_wait3A_184] : memref<128x80xi32, #tpu.memory_space<vmem>> -> memref<1x80xi32, #tpu.memory_space<vmem>>
    %dma_wait3A_186 = tpu.memref_squeeze %dma_wait3A_185 : memref<1x80xi32, #tpu.memory_space<vmem>> -> memref<80xi32, #tpu.memory_space<vmem>>
    %dma_wait3A_187 = arith.constant 0 : i32
    %dma_wait3A_188 = arith.constant 0 : i32
    %dma_wait3A_189 = tpu.memref_slice %arg6[%dma_wait3A_187, %dma_wait3A_188] : memref<128x128xf32, #tpu.memory_space<vmem_shared>> -> memref<128x128xf32, #tpu.memory_space<vmem_shared>>
    tpu.wait_indirect_dma semaphore(%arg14 : memref<!tpu.dma_semaphore, #tpu.memory_space<semaphore_mem>>) src(%dma_wait3A_189 : memref<128x128xf32, #tpu.memory_space<vmem_shared>>) dst(%dma_wait3A_183 : memref<80x128xf32, #tpu.memory_space<vmem>>)
    %scan3A_190 = arith.constant 0 : i32
    %scan3A_191 = arith.constant 0 : i32
    %scan3A_192 = arith.constant 8 : i32
    %scan3A_193 = arith.addi %scan3A_191, %scan3A_192 : i32
    %scan3A_194 = arith.constant 1 : i32
    scf.for %scan3A_196 = %scan3A_191 to %scan3A_193 step %scan3A_194  : i32 {
      %mul3A_197 = arith.constant 20 : i32
      %mul3A_198 = arith.muli %scan3A_196, %mul3A_197 : i32
      %add3A_199 = arith.constant 504 : i32
      %add3A_200 = arith.addi %mul3A_2, %add3A_199 : i32
      %add3A_201 = arith.addi %add3A_200, %scan3A_196 : i32
      "tpu.region"() ({
        %run_scoped3A = tpu.sem_alloc : memref<!tpu.dma_semaphore, #tpu.memory_space<semaphore_mem>>
        %dma_start3A_202 = arith.constant 0 : i32
        %dma_start3A_203 = tpu.memref_slice %arg10[%mul3A_198, %dma_start3A_202] : memref<160x128xf32, #tpu.memory_space<vmem>> -> memref<20x128xf32, #tpu.memory_space<vmem>>
        %dma_start3A_204 = arith.constant 0 : i32
        %dma_start3A_205 = arith.constant 0 : i32
        %dma_start3A_206 = tpu.memref_slice %arg4[%add3A_201, %dma_start3A_204, %dma_start3A_205] : memref<16384x20x128xf32, #tpu.memory_space<hbm>> -> memref<1x20x128xf32, #tpu.memory_space<hbm>>
        %dma_start3A_207 = tpu.memref_squeeze %dma_start3A_206 : memref<1x20x128xf32, #tpu.memory_space<hbm>> -> memref<20x128xf32, #tpu.memory_space<hbm>>
        %dma_start3A_208 = arith.constant 0 : i32
        %dma_start3A_209 = arith.constant 0 : i32
        %dma_start3A_210 = tpu.memref_slice %arg4[%add3A_201, %dma_start3A_208, %dma_start3A_209] : memref<16384x20x128xf32, #tpu.memory_space<hbm>> -> memref<1x20x128xf32, #tpu.memory_space<hbm>>
        %dma_start3A_211 = tpu.memref_squeeze %dma_start3A_210 : memref<1x20x128xf32, #tpu.memory_space<hbm>> -> memref<20x128xf32, #tpu.memory_space<hbm>>
        %dma_start3A_212 = arith.constant 0 : i32
        %dma_start3A_213 = tpu.memref_slice %arg10[%mul3A_198, %dma_start3A_212] : memref<160x128xf32, #tpu.memory_space<vmem>> -> memref<20x128xf32, #tpu.memory_space<vmem>>
        tpu.enqueue_dma source(%dma_start3A_213 : memref<20x128xf32, #tpu.memory_space<vmem>>) target(%dma_start3A_211 : memref<20x128xf32, #tpu.memory_space<hbm>>) target_semaphore(%run_scoped3A : memref<!tpu.dma_semaphore, #tpu.memory_space<semaphore_mem>>)
        %dma_wait3A_214 = arith.constant 0 : i32
        %dma_wait3A_215 = tpu.memref_slice %arg10[%mul3A_198, %dma_wait3A_214] : memref<160x128xf32, #tpu.memory_space<vmem>> -> memref<20x128xf32, #tpu.memory_space<vmem>>
        %dma_wait3A_216 = arith.constant 0 : i32
        %dma_wait3A_217 = arith.constant 0 : i32
        %dma_wait3A_218 = tpu.memref_slice %arg4[%add3A_201, %dma_wait3A_216, %dma_wait3A_217] : memref<16384x20x128xf32, #tpu.memory_space<hbm>> -> memref<1x20x128xf32, #tpu.memory_space<hbm>>
        %dma_wait3A_219 = tpu.memref_squeeze %dma_wait3A_218 : memref<1x20x128xf32, #tpu.memory_space<hbm>> -> memref<20x128xf32, #tpu.memory_space<hbm>>
        %dma_wait3A_220 = arith.constant 0 : i32
        %dma_wait3A_221 = arith.constant 0 : i32
        %dma_wait3A_222 = tpu.memref_slice %arg4[%add3A_201, %dma_wait3A_220, %dma_wait3A_221] : memref<16384x20x128xf32, #tpu.memory_space<hbm>> -> memref<1x20x128xf32, #tpu.memory_space<hbm>>
        %dma_wait3A_223 = tpu.memref_squeeze %dma_wait3A_222 : memref<1x20x128xf32, #tpu.memory_space<hbm>> -> memref<20x128xf32, #tpu.memory_space<hbm>>
        %dma_wait3A_224 = arith.constant 0 : i32
        %dma_wait3A_225 = tpu.memref_slice %arg10[%mul3A_198, %dma_wait3A_224] : memref<160x128xf32, #tpu.memory_space<vmem>> -> memref<20x128xf32, #tpu.memory_space<vmem>>
        tpu.wait_dma2 semaphore(%run_scoped3A : memref<!tpu.dma_semaphore, #tpu.memory_space<semaphore_mem>>) src(%dma_wait3A_225 : memref<20x128xf32, #tpu.memory_space<vmem>>) dst(%dma_wait3A_223 : memref<20x128xf32, #tpu.memory_space<hbm>>)
        tpu.yield
      }) : () -> ()
    }
    %scan3A_195 = arith.constant 8 : i32
    return
  }
}

module attributes {stable_mosaic.version = 14 : i64} {
  func.func @_fuse_kernel(%arg0: memref<128x200xf32, #tpu.memory_space<vmem>>, %arg1: memref<200x128xf32, #tpu.memory_space<vmem>>, %arg2: memref<8x128xf32, #tpu.memory_space<vmem>>, %arg3: memref<128x128xf32, #tpu.memory_space<vmem>>) attributes {dimension_semantics = [], scalar_prefetch = 0 : i64, scratch_operands = 0 : i64, tpu.core_type = #tpu.core_type<tc>} {
    %get3A = arith.constant 0 : index
    %get3A_0 = arith.constant 0 : index
    %get3A_1 = vector.load %arg0[%get3A, %get3A_0] : memref<128x200xf32, #tpu.memory_space<vmem>>, vector<128x200xf32>
    %get3A_2 = arith.constant 0 : index
    %get3A_3 = arith.constant 0 : index
    %get3A_4 = vector.load %arg1[%get3A_2, %get3A_3] : memref<200x128xf32, #tpu.memory_space<vmem>>, vector<200x128xf32>
    %dot_general3A = arith.constant dense<0.000000e+00> : vector<128x128xf32>
    %dot_general3A_5 = tpu.matmul %get3A_1, %get3A_4, %dot_general3A {dimension_numbers = #tpu.dot_dimension_numbers<[1], [0], [0], [1], [0, 0, 1, 1], [], []>, transpose_lhs_hint = false} : vector<128x200xf32>, vector<200x128xf32>, vector<128x128xf32> -> vector<128x128xf32>
    %get3A_6 = arith.constant 0 : index
    %get3A_7 = arith.constant 0 : index
    %get3A_8 = vector.load %arg2[%get3A_6, %get3A_7] : memref<8x128xf32, #tpu.memory_space<vmem>>, vector<1x128xf32>
    %add3A = vector.broadcast %get3A_8 : vector<1x128xf32> to vector<128x128xf32>
    %add3A_9 = arith.addf %dot_general3A_5, %add3A : vector<128x128xf32>
    %swap3A = arith.constant 0 : index
    %swap3A_10 = arith.constant 0 : index
    %swap3A_11 = vector.load %arg3[%swap3A, %swap3A_10] : memref<128x128xf32, #tpu.memory_space<vmem>>, vector<128x128xf32>
    tpu.vector_store %arg3[%swap3A, %swap3A_10], %add3A_9 {strides = array<i32>} : memref<128x128xf32, #tpu.memory_space<vmem>>, vector<128x128xf32>,
    return
  }
}

</mosaic_0001>

<sc_bundles>
// kernel: kernel.4.cloned.1.call-start
scs
__scs_entry_jumppad:
0x0: {  	(pc) =	sbr.rel $0x88, $3  }
0x1: {  	(tag) =	ssettag $0x0;
	lr =	simm.s32 $0x1  }
0x2: {  	[smem:$0x3F9D] =	sst lr;
	_ =	strace $0xD0000000  }
0x3: {  	_ = 	snop  }
0x4: {  	_ = 	snop  }
0x5: {  	_ = 	snop  }
0x6: {  	_ = 	snop  }
0x7: {  	_ = 	snop  }
__scs_overlays_trampoline_lowered:
0x8: {  	[smem:$0x3FAC] =	sst s0  }
0x9: {  	[smem:$0x3FAD] =	sst s1  }
0xa: {  	[smem:$0x3FAE] =	sst s2  }
0xb: {  	[smem:$0x3FAF] =	sst s3  }
0xc: {  	[smem:$0x3FB0] =	sst s4  }
0xd: {  	[smem:$0x3FB1] =	sst s5  }
0xe: {  	[smem:$0x3FB2] =	sst s6  }
0xf: {  	[smem:$0x3FB3] =	sst s7  }
0x10: {  	[smem:$0x3FB4] =	sst s8  }
0x11: {  	[smem:$0x3FB5] =	sst s9;
	s0 =	simm.s32 @!p0 $0x0  }
0x12: {  	s1 =	sld [smem:$0x3F9B];
	s0 =	simm.s32 @p0 $0x1  }
0x13: {  	[smem:$0x3FB6] =	sst s0;
	s0 =	simm.s32 @!p1 $0x0  }
0x14: {  	s2 =	sld [smem:$0x3F9A];
	s0 =	simm.s32 @p1 $0x1  }
0x15: {  	[smem:$0x3FB7] =	sst s0;
	s0 =	simm.s32 @!p2 $0x0  }
0x16: {  	s3 =	sld [smem:$0x3FDB];
	s0 =	simm.s32 @p2 $0x1  }
0x17: {  	s4 =	simm.s32 $0x1BF5;
	[smem:$0x3FB9] =	sst s0  }
0x18: {  	s0 =	sld [smem:$0x3F9C];
	_ =	swait.ge [sflag:s4], $0x0  }
0x19: {  	s7 =	sld [smem:$0x3F9D]  }
0x1a: {  	s8 =	sadd.s32 $0xFFFFE003, lr  }
0x1b: {  	s9 =	sadd.s32 $0xFFFFFEF7, lr;
	s5 =	simm.s32 $0xFFFFFFFF;
	p2 =	slt.u32 s8, $0xFFFFF086  }
0x1c: {  	p1 =	slt.u32 s9, $0xF7A;
	s5 =	simm.s32 @!p2 $0x0  }
0x1d: {  	s5 =	simm.s32 @p1 $0x1;
	p0 =	seq.s32 s7, s2  }
0x1e: {  	s7 =	smul.u32 @!p0 $0xF7A, s2;
	p2 =	seq.s32 @!p0 s5, $0x0  }
0x1f: {  	s9 =	smul.u32 $0xF7A, s1;
	s8 =	simm.s32 @!p0 $0x1BF5;
	p2 =	por !p2, p0  }
0x20: {  	[sflag:s8] =	ssyncset.s32 @!p0 $0xFFFFF086;
	s6 =	sadd.s32 @!p0 s3, s7;
	s7 =	simm.s32 @!p0 $0x108  }
0x21: {  	s3 =	sadd.s32 s3, s9;
	s6 =	sadd.s32 @!p0 $0x88, s6;
	s7 =	simm.s32 @p2 $0x1082  }
0x22: {  	[simem:s7], [sflag:s8] =	dma.local @!p0 [hbm:s6], $0xF7A  }
0x23: {  	s9 =	sor.u32 $0xD0000000, s2;
	s6 =	simm.s32 $0x108;
	_ =	swait.ge @!p0 [sflag:s8], $0x0  }
0x24: {  	s3 =	sadd.s32 $0x88, s3;
	s6 =	simm.s32 @!p1 $0x1082;
	[sflag:s4] =	ssyncset.s32 $0xFFFFF086  }
0x25: {  	[simem:s6], [sflag:s4] =	dma.local [hbm:s3], $0xF7A  }
0x26: {  	[smem:$0x3F9D] =	sst s1;
	(tag) =	ssettag s2;
	_ =	strace s9  }
0x27: {  	s1 =	sld [smem:$0x3FAD]  }
0x28: {  	s2 =	sld [smem:$0x3FAE]  }
0x29: {  	s4 =	sld [smem:$0x3FB0]  }
0x2a: {  	p0 =	seq.s32 s5, $0x0;
	s5 =	sld [smem:$0x3FB1]  }
0x2b: {  	s6 =	sld [smem:$0x3FB2]  }
0x2c: {  	s7 =	sld [smem:$0x3FB3]  }
0x2d: {  	s3 =	simm.s32 $0x108;
	s8 =	sld [smem:$0x3FB4]  }
0x2e: {  	s3 =	simm.s32 @!p0 $0x1082;
	s9 =	sld [smem:$0x3FB5]  }
0x2f: {  	lr =	sadd.s32 s0, s3;
	s0 =	sld [smem:$0x3FAC]  }
0x30: {  	s3 =	sld [smem:$0x3FAF]  }
0x31: {  	[smem:$0x3FB8] =	sst s10  }
0x32: {  	s10 =	sld [smem:$0x3FB6];
	_ =	sdelay $0x3  }
0x33: {  	p0 =	seq.s32 s10, $0x1;
	s10 =	sld [smem:$0x3FB8];
	_ =	sdelay $0x3  }
0x34: {  	[smem:$0x3FB8] =	sst s10  }
0x35: {  	s10 =	sld [smem:$0x3FB7];
	_ =	sdelay $0x3  }
0x36: {  	p1 =	seq.s32 s10, $0x1;
	s10 =	sld [smem:$0x3FB8];
	_ =	sdelay $0x3  }
0x37: {  	[smem:$0x3FB8] =	sst s10  }
0x38: {  	s10 =	sld [smem:$0x3FB9]  }
0x39: {  	_ = 	snop;
	(pc) =	sbr.ind lr, $3  }
0x3a: {  	_ = 	snop  }
0x3b: {  	_ = 	snop  }
0x3c: {  	p2 =	seq.s32 s10, $0x1;
	s10 =	sld [smem:$0x3FB8]  }
0x3d: {  	_ =	shalt  }
0x3e: {  	_ =	shalt  }
0x3f: {  	_ =	shalt  }
0x40: {  	_ =	shalt  }
0x41: {  	_ =	shalt  }
0x42: {  	_ =	shalt  }
0x43: {  	_ =	shalt  }
0x44: {  	_ =	shalt  }
0x45: {  	_ =	shalt  }
0x46: {  	_ =	shalt  }
0x47: {  	_ =	shalt  }
0x48: {  	_ =	shalt  }
0x49: {  	_ =	shalt  }
0x4a: {  	_ =	shalt  }
0x4b: {  	_ =	shalt  }
0x4c: {  	_ =	shalt  }
0x4d: {  	_ =	shalt  }
0x4e: {  	_ =	shalt  }
0x4f: {  	_ =	shalt  }
0x50: {  	_ =	shalt  }
0x51: {  	_ =	shalt  }
0x52: {  	_ =	shalt  }
0x53: {  	_ =	shalt  }
0x54: {  	_ =	shalt  }
0x55: {  	_ =	shalt  }
0x56: {  	_ =	shalt  }
0x57: {  	_ =	shalt  }
0x58: {  	_ =	shalt  }
0x59: {  	_ =	shalt  }
0x5a: {  	_ =	shalt  }
0x5b: {  	_ =	shalt  }
0x5c: {  	_ =	shalt  }
0x5d: {  	_ =	shalt  }
0x5e: {  	_ =	shalt  }
0x5f: {  	_ =	shalt  }
0x60: {  	_ =	shalt  }
0x61: {  	_ =	shalt  }
0x62: {  	_ =	shalt  }
0x63: {  	_ =	shalt  }
0x64: {  	_ =	shalt  }
0x65: {  	_ =	shalt  }
0x66: {  	_ =	shalt  }
0x67: {  	_ =	shalt  }
0x68: {  	_ =	shalt  }
0x69: {  	_ =	shalt  }
0x6a: {  	_ =	shalt  }
0x6b: {  	_ =	shalt  }
0x6c: {  	_ =	shalt  }
0x6d: {  	_ =	shalt  }
0x6e: {  	_ =	shalt  }
0x6f: {  	_ =	shalt  }
0x70: {  	_ =	shalt  }
0x71: {  	_ =	shalt  }
0x72: {  	_ =	shalt  }
0x73: {  	_ =	shalt  }
0x74: {  	_ =	shalt  }
0x75: {  	_ =	shalt  }
0x76: {  	_ =	shalt  }
0x77: {  	_ =	shalt  }
0x78: {  	_ =	shalt  }
0x79: {  	_ =	shalt  }
0x7a: {  	_ =	shalt  }
0x7b: {  	_ =	shalt  }
0x7c: {  	_ =	shalt  }
0x7d: {  	_ =	shalt  }
0x7e: {  	_ =	shalt  }
0x7f: {  	_ =	shalt  }
0x80: {  	_ =	shalt  }
0x81: {  	_ =	shalt  }
0x82: {  	_ =	shalt  }
0x83: {  	_ =	shalt  }
0x84: {  	_ =	shalt  }
0x85: {  	_ =	shalt  }
0x86: {  	_ =	shalt  }
0x87: {  	_ =	shalt  }
.Lfunc_end0:
.L_simem_size_0:
called_computation_lowered:
.L_overlay_start_0:
0x88: {  	s2 =	sld [smem:$0x3FD9]  }
0x89: {  	s3 =	sld [smem:$0x3FFE];
	_ =	sdelay $0x1  }
0x8a: {  	s1 =	srdreg.scid  }
0x8b: {  	s0 =	sand.u32 $0x1, s1  }
0x8c: {  	s17 =	sshll.u32 s0, $0xA;
	s2 =	sadd.s32 s3, s2  }
0x8d: {  	s2 =	sadd.s32 s2, s17  }
0x8e: {  	[smem:$0x3FC4] =	sst s2  }
0x8f: {  	_ = 	snop  }
0x90: {  	s2 =	sld [smem:$0x3FD0];
	(tm) =	ssettm $0x1  }
0x91: {  	s18 =	sld [smem:$0x3FFB];
	_ =	sdelay $0x3  }
0x92: {  	_ =	strace s18  }
0x93: {  	s3 =	sld [smem:$0x3FFC];
	_ =	sdelay $0x3  }
0x94: {  	_ =	strace s3  }
0x95: {  	s3 =	sld [smem:$0x3FFD];
	_ =	sdelay $0x3  }
0x96: {  	_ =	strace s3  }
0x97: {  	_ =	strace $0x8FFFFFFF  }
0x98: {  	s19 =	sld [smem:$0x3FDB];
	_ =	sdelay $0x1  }
0x99: {  	s4 =	simm.s32 $_scs_section_size  }
0x9a: {  	s5 =	simm.s32 $_size__tile_overlayer_lowered;
	s6 =	simm.s32 $_tile_overlayer_lowered  }
0x9b: {  	s22 =	simm.s32 $0x1BFF;
	s21 =	sshll.u32 s6, $0x1;
	s3 =	sadd.s32 s4, s19  }
0x9c: {  	s7 =	simm.s32 $0x0;
	s20 =	sshll.u32 s5, $0x1;
	s5 =	sadd.s32 s21, s3  }
0x9d: {  	[timem:s7], [sflag:s22] =	dma.local [hbm:s5], s20  }
0x9e: {  	_ =	swait.ge [sflag:s22], s20  }
0x9f: {  	s4 =	ssub.s32 $0x0, s20;
	[sflag:s22] =	ssyncset.done $0x0  }
0xa0: {  	[sflag:s22] =	ssyncadd.s32 s4;
	_ =	sdelay $0x1  }
0xa1: {  	s23 =	simm.s32 $0x1B8B  }
0xa2: {  	_ =	swait.ge [sflag:s23], $0x1  }
0xa3: {  	[sflag:s23] =	ssyncset.done $0x0  }
0xa4: {  	s25 =	simm.s32 $0x1B8E;
	s24 =	sld [smem:$0x3FFE];
	[sflag:s23] =	ssyncadd.s32 $0xFFFFFFFF  }
0xa5: {  	s26 =	simm.s32 $execute0_lowered;
	[smem:$0x3FD2] =	sst s25  }
0xa6: {  	s5 =	sshll.u32 s26, $0x1;
	_ =	strace $0x80000046;
	[dreg:$0x1] =	wrdreg $0xFFFFFFFF  }
0xa7: {  	s28 =	simm.s32 $_size_execute0_lowered;
	s3 =	sadd.s32 s3, s5;
	[dreg:$0x0] =	wrdreg $0x0  }
0xa8: {  	s5 =	sshll.u32 s28, $0x1;
	[dreg:$0x2] =	wrdreg s3  }
0xa9: {  	[dreg:$0x3] =	wrdreg s5  }
0xaa: {  	[dreg:$0x4] =	wrdreg $0xC0  }
0xab: {  	_ =	task [dreg:s7], $0x5FFFF  }
0xac: {  	[dreg:$0x1] =	wrdreg $0xFFFFFFFF  }
0xad: {  	[dreg:$0x0] =	wrdreg $0x60  }
0xae: {  	[dreg:$0x2] =	wrdreg s24  }
0xaf: {  	[dreg:$0x3] =	wrdreg s2  }
0xb0: {  	[dreg:$0x4] =	wrdreg $0x40000  }
0xb1: {  	[dreg:$0x5] =	wrdreg $0x9  }
0xb2: {  	_ =	task.clear_ibuf [dreg:s7], $0x6FFFF;
	_ =	strace $0x90000046  }
0xb3: {  	s29 =	simm.s32 $0x9;
	_ =	strace $0x80000048  }
0xb4: {  	_ =	swait.ge [sflag:s29], $0x1  }
0xb5: {  	[sflag:s29] =	ssyncadd.s32 $0xFFFFFFFF  }
0xb6: {  	_ =	strace $0x90000048  }
0xb7: {  	_ =	sfence  }
0xb8: {  	s30 =	sld [smem:$0x0];
	_ =	sdelay $0x2  }
0xb9: {  	s31 =	sshll.u32 s1, $0xD;
	s1 =	sshrl.u32 s1, $0x2  }
0xba: {  	s3 =	sand.u32 $0x4000, s31;
	s1 =	sadd.s32 s1, s30  }
0xbb: {  	s0 =	sor.u32 s3, s0;
	s1 =	sshll.u32 s1, $0x11  }
0xbc: {  	s0 =	sor.u32 s1, s0  }
0xbd: {  	s0 =	sadd.s32 $0x8F2B, s0  }
0xbe: {  	[sflag:s0] =	ssyncadd.remote.s32 $0x1  }
0xbf: {  	_ =	sfence.sel $0xFFFF  }
0xc0: {  	[dreg:$0x0] =	wrdreg $0xFFFFFFFF;
	(pc) =	sbr.abs _section_cstart, $3  }
0xc1: {  	[dreg:$0x1] =	wrdreg $0xFFFFFFFF  }
0xc2: {  	_ =	task.clear_ibuf [dreg:s7], $0x2FFFF;
	_ =	strace $0x9FFFFFFF  }
0xc3: {  	(tm) =	ssettm $0x7FFFFFFF  }
tec
execute0_lowered:
.L_overlay_start_1:
0x0: {  	(tag) =	ssettag $0x1  }
0x1: {  	s0 =	rddreg [dreg:$0x0]  }
0x2: {  	s3 =	rddreg [dreg:$0x1];
	s2 =	srdreg.scid  }
0x3: {  	s4 =	stileid.u32;
	s1 =	rddreg [dreg:$0x2];
	s5 =	sand.u32 $0x1, s2  }
0x4: {  	s6 =	sshll.u32 s4, $0x1;
	s2 =	simm.s32 $0x0;
	s8 =	sadd.s32 $0xA00, s0  }
0x5: {  	s0 =	sadd.s32 $0x1200, s0;
	s6 =	sor.u32 s5, s6;
	[smem:$0x7FF] =	sst s2  }
0x6: {  	s13 =	ssub.s32 $0x2, s5;
	s7 =	smul.u32 $0x180000, s6;
	_ =	strace $0x80000047  }
0x7: {  	[dreg:$0x5] =	wrdreg s8;
	s9 =	sshrl.u32 s13, $0x1;
	s6 =	sshll.u32 s6, $0xB  }
0x8: {  	s8 =	ssub.s32 s13, s9;
	s3 =	sadd.s32 s3, s6;
	s7 =	sshrl.u32 s7, $0x3  }
0x9: {  	[dreg:$0x6] =	wrdreg s3;
	s15 =	smax.u32 s8, $0x1;
	s7 =	sadd.s32 s0, s7  }
0xa: {  	[dreg:$0x8] =	wrdreg s15;
	s14 =	sadd.s32 $0x2F400, s7  }
0xb: {  	s16 =	sadd.s32 $0x2D000, s7;
	[dreg:$0x7] =	wrdreg s14  }
0xc: {  	s17 =	sadd.s32 $0x2D180, s7;
	[dreg:$0x9] =	wrdreg s16  }
0xd: {  	s18 =	sadd.s32 $0x2D300, s7;
	[dreg:$0xa] =	wrdreg s17  }
0xe: {  	s19 =	sadd.s32 $0x2D480, s7;
	[dreg:$0xb] =	wrdreg s18  }
0xf: {  	s20 =	sadd.s32 $0x2D600, s7;
	[dreg:$0xc] =	wrdreg s19  }
0x10: {  	s21 =	sadd.s32 $0x2D780, s7;
	[dreg:$0xd] =	wrdreg s20  }
0x11: {  	s22 =	sadd.s32 $0x2D900, s7;
	[dreg:$0xe] =	wrdreg s21  }
0x12: {  	s23 =	sadd.s32 $0x2DA80, s7;
	[dreg:$0xf] =	wrdreg s22  }
0x13: {  	s24 =	sadd.s32 $0x2DC00, s7;
	[dreg:$0x10] =	wrdreg s23  }
0x14: {  	s25 =	sadd.s32 $0x2DD80, s7;
	[dreg:$0x11] =	wrdreg s24  }
0x15: {  	s31 =	sadd.s32 $0x2DF00, s7;
	[dreg:$0x12] =	wrdreg s25  }
0x16: {  	s8 =	sadd.s32 $0x2E080, s7;
	[dreg:$0x13] =	wrdreg s31  }
0x17: {  	s9 =	sadd.s32 $0x2E200, s7;
	[dreg:$0x14] =	wrdreg s8  }
0x18: {  	s26 =	smul.u32 $0x60000, s4;
	s10 =	sadd.s32 $0x2E380, s7;
	[dreg:$0x15] =	wrdreg s9  }
0x19: {  	s5 =	smul.u32 $0x30000, s5;
	s11 =	sadd.s32 $0x2E500, s7;
	[dreg:$0x16] =	wrdreg s10  }
0x1a: {  	s0 =	sadd.s32 s26, s0;
	s12 =	sadd.s32 $0x2E680, s7;
	[dreg:$0x17] =	wrdreg s11  }
0x1b: {  	s0 =	sadd.s32 s5, s0;
	[dreg:$0x18] =	wrdreg s12  }
0x1c: {  	s13 =	sadd.s32 $0x2E800, s7;
	[dreg:$0x4] =	wrdreg s0  }
0x1d: {  	s28 =	simm.s32 $0x16600;
	s15 =	sadd.s32 $0x2EB00, s7;
	[dreg:$0x19] =	wrdreg s13  }
0x1e: {  	s29 =	simm.s32 $0x17000;
	s26 =	sadd.s32 $0x2FD00, s7;
	[dreg:$0x1b] =	wrdreg s15  }
0x1f: {  	s30 =	simm.s32 $0x17A00;
	s14 =	sadd.s32 $0x2E980, s7;
	[smem:$0x7FC] =	sst s26  }
0x20: {  	p0 =	sne.s32 s4, $0x0;
	s16 =	sadd.s32 $0x2EC80, s7;
	[dreg:$0x1a] =	wrdreg s14  }
0x21: {  	s4 =	simm.s32 $0x3;
	s17 =	sadd.s32 $0x2EE00, s7;
	[dreg:$0x1c] =	wrdreg s16  }
0x22: {  	s3 =	simm.s32 $0x0;
	s18 =	sadd.s32 $0x2EF80, s7;
	[dreg:$0x1d] =	wrdreg s17  }
0x23: {  	s19 =	sadd.s32 $0x2F100, s7;
	s20 =	sadd.s32 $0x2F280, s7;
	[dreg:$0x1e] =	wrdreg s18  }
0x24: {  	s21 =	sadd.s32 $0x2F580, s7;
	s22 =	sadd.s32 $0x2F700, s7;
	[dreg:$0x1f] =	wrdreg s19  }
0x25: {  	s23 =	sadd.s32 $0x2F880, s7;
	s24 =	sadd.s32 $0x2FA00, s7;
	[smem:$0x7F6] =	sst s20  }
0x26: {  	s25 =	sadd.s32 $0x2FB80, s7;
	s31 =	sadd.s32 $0x2FE80, s7;
	[smem:$0x7F7] =	sst s21  }
0x27: {  	s9 =	simm.s32 $0x5;
	s10 =	simm.s32 $0x50;
	[smem:$0x7F8] =	sst s22  }
0x28: {  	s11 =	simm.s32 $0x4400;
	s12 =	simm.s32 $0x6C00;
	[smem:$0x7F9] =	sst s23  }
0x29: {  	s13 =	simm.s32 $0x9400;
	s15 =	simm.s32 $0xE400;
	[smem:$0x7FA] =	sst s24  }
0x2a: {  	s26 =	simm.s32 $0x2;
	s8 =	simm.s32 $0x11600;
	[smem:$0x7FB] =	sst s25  }
0x2b: {  	[smem:$0x7FD] =	sst s31;
	s14 =	simm.s32 $0xBC00;
	s16 =	simm.s32 $0x10C00  }
0x2c: {  	s17 =	simm.s32 $0x13400;
	s18 =	simm.s32 $0x15C00;
	s19 =	simm.s32 $0x1  }
0x2d: {  	s20 =	simm.s32 $0x12000;
	s21 =	simm.s32 $0x12A00;
	s22 =	simm.s32 $0x4  }
0x2e: {  	s23 =	simm.s32 $0x13E00;
	s24 =	simm.s32 $0x14800;
	s25 =	simm.s32 $0x15200  }
.LBB2_1:
0x2f: {  	[smem:$0x7F5] =	sst s3  }
0x30: {  	s0 =	sshrl.u32 @!p0 s1, $0x3;
	s3 =	simm.s32 @!p0 $0x1C05;
	s5 =	rddreg [dreg:$0x5]  }
0x31: {  	[spmem:s0], [sflag:s3] =	dma.local @!p0 [hbm:s5], $0x800  }
0x32: {  	s0 =	simm.s32 @!p0 $0x5  }
0x33: {  	_ =	swait.ge @!p0 [sflag:s0], $0x800  }
0x34: {  	[sflag:s0] =	ssyncset.done @!p0 $0x0  }
0x35: {  	s5 =	rddreg [dreg:$0x6];
	[sflag:s0] =	ssyncadd.s32 @!p0 $0xFFFFF800  }
0x36: {  	[tilespmem:s2], [sflag:$0x5] =	stream.linear.gather [hbm4b:s5+s2], $0x4000, $0x38;
	[tilespmem:$0x18400] =	vst v63  }
0x37: {  	_ =	swait.ge [sflag:s9], $0x4000  }
0x38: {  	[sflag:s9] =	ssyncset.done $0x0  }
0x39: {  	[sflag:s9] =	ssyncadd.s32 $0xFFFFC000  }
0x3a: {  	[bflag:$0x0] =	sbarrier.arrive $0xFFFF  }
0x3b: {  	[tilespmem:s11], [sflag:$0x1] =	stream.indirect.gather [spmem:s1], $0x80, s2, s10, $0xb8;
	[tilespmem:$0x18400] =	vst v63  }
0x3c: {  	s6 =	simm.s32 $0x80  }
0x3d: {  	[tilespmem:s12], [sflag:$0x1] =	stream.indirect.gather [spmem:s1], $0x80, s6, s10, $0xb8;
	[tilespmem:$0x18400] =	vst v63  }
0x3e: {  	s7 =	simm.s32 $0x100  }
0x3f: {  	[tilespmem:s13], [sflag:$0x2] =	stream.indirect.gather [spmem:s1], $0x80, s7, s10, $0xb8;
	[tilespmem:$0x18400] =	vst v63  }
0x40: {  	s3 =	simm.s32 $0x180  }
0x41: {  	[tilespmem:s14], [sflag:$0x2] =	stream.indirect.gather [spmem:s1], $0x80, s3, s10, $0xb8;
	[tilespmem:$0x18400] =	vst v63  }
0x42: {  	s5 =	simm.s32 $0x200  }
0x43: {  	[tilespmem:s15], [sflag:$0x3] =	stream.indirect.gather [spmem:s1], $0x80, s5, s10, $0xb8;
	[tilespmem:$0x18400] =	vst v63  }
0x44: {  	s6 =	simm.s32 $0x280  }
0x45: {  	[tilespmem:s16], [sflag:$0x3] =	stream.indirect.gather [spmem:s1], $0x80, s6, s10, $0xb8;
	[tilespmem:$0x18400] =	vst v63  }
0x46: {  	s7 =	simm.s32 $0x300  }
0x47: {  	[tilespmem:s17], [sflag:$0x4] =	stream.indirect.gather [spmem:s1], $0x80, s7, s10, $0xb8;
	[tilespmem:$0x18400] =	vst v63  }
0x48: {  	s3 =	simm.s32 $0x380  }
0x49: {  	[tilespmem:s18], [sflag:$0x4] =	stream.indirect.gather [spmem:s1], $0x80, s3, s10, $0xb8;
	[tilespmem:$0x18400] =	vst v63  }
0x4a: {  	_ =	swait.ge [sflag:s19], $0x2800  }
0x4b: {  	[sflag:s19] =	ssyncset.done $0x0  }
0x4c: {  	[sflag:s19] =	ssyncadd.s32 $0xFFFFD800  }
0x4d: {  	_ =	swait.ge [sflag:s19], $0x2800  }
0x4e: {  	s5 =	rddreg [dreg:$0x4];
	[sflag:s19] =	ssyncset.done $0x0  }
0x4f: {  	[sflag:s19] =	ssyncadd.s32 $0xFFFFD800;
	s0 =	sadd.s32 $0x0, s5  }
0x50: {  	[hbm4b:s0+s2] =	stream.linear.scatter [tilespmem:s11], [sflag:$0x5], $0xA00, $0x38;
	[tilespmem:$0x18400] =	vst v63  }
0x51: {  	_ =	swait.ge [sflag:s9], $0xA00  }
0x52: {  	[sflag:s9] =	ssyncset.done $0x0  }
0x53: {  	s7 =	simm.s32 $0x4E00;
	s6 =	sadd.s32 $0x180, s0;
	[sflag:s9] =	ssyncadd.s32 $0xFFFFF600  }
0x54: {  	[hbm4b:s6+s2] =	stream.linear.scatter [tilespmem:s7], [sflag:$0x5], $0xA00, $0x38;
	[tilespmem:$0x18400] =	vst v63  }
0x55: {  	_ =	swait.ge [sflag:s9], $0xA00  }
0x56: {  	[sflag:s9] =	ssyncset.done $0x0  }
0x57: {  	s6 =	sadd.s32 $0x300, s0;
	s7 =	simm.s32 $0x5800;
	[sflag:s9] =	ssyncadd.s32 $0xFFFFF600  }
0x58: {  	[hbm4b:s6+s2] =	stream.linear.scatter [tilespmem:s7], [sflag:$0x5], $0xA00, $0x38;
	[tilespmem:$0x18400] =	vst v63  }
0x59: {  	_ =	swait.ge [sflag:s9], $0xA00  }
0x5a: {  	[sflag:s9] =	ssyncset.done $0x0  }
0x5b: {  	s6 =	sadd.s32 $0x480, s0;
	s7 =	simm.s32 $0x6200;
	[sflag:s9] =	ssyncadd.s32 $0xFFFFF600  }
0x5c: {  	[hbm4b:s6+s2] =	stream.linear.scatter [tilespmem:s7], [sflag:$0x5], $0xA00, $0x38;
	[tilespmem:$0x18400] =	vst v63  }
0x5d: {  	_ =	swait.ge [sflag:s9], $0xA00  }
0x5e: {  	[sflag:s9] =	ssyncset.done $0x0  }
0x5f: {  	s5 =	sadd.s32 $0x600, s0;
	[sflag:s9] =	ssyncadd.s32 $0xFFFFF600  }
0x60: {  	[hbm4b:s5+s2] =	stream.linear.scatter [tilespmem:s12], [sflag:$0x5], $0xA00, $0x38;
	[tilespmem:$0x18400] =	vst v63  }
0x61: {  	_ =	swait.ge [sflag:s9], $0xA00  }
0x62: {  	[sflag:s9] =	ssyncset.done $0x0  }
0x63: {  	s6 =	sadd.s32 $0x780, s0;
	s7 =	simm.s32 $0x7600;
	[sflag:s9] =	ssyncadd.s32 $0xFFFFF600  }
0x64: {  	[hbm4b:s6+s2] =	stream.linear.scatter [tilespmem:s7], [sflag:$0x5], $0xA00, $0x38;
	[tilespmem:$0x18400] =	vst v63  }
0x65: {  	_ =	swait.ge [sflag:s9], $0xA00  }
0x66: {  	[sflag:s9] =	ssyncset.done $0x0  }
0x67: {  	s6 =	sadd.s32 $0x900, s0;
	s7 =	simm.s32 $0x8000;
	[sflag:s9] =	ssyncadd.s32 $0xFFFFF600  }
0x68: {  	[hbm4b:s6+s2] =	stream.linear.scatter [tilespmem:s7], [sflag:$0x5], $0xA00, $0x38;
	[tilespmem:$0x18400] =	vst v63  }
0x69: {  	_ =	swait.ge [sflag:s9], $0xA00  }
0x6a: {  	[sflag:s9] =	ssyncset.done $0x0  }
0x6b: {  	s6 =	sadd.s32 $0xA80, s0;
	s7 =	simm.s32 $0x8A00;
	[sflag:s9] =	ssyncadd.s32 $0xFFFFF600  }
0x6c: {  	[hbm4b:s6+s2] =	stream.linear.scatter [tilespmem:s7], [sflag:$0x5], $0xA00, $0x38;
	[tilespmem:$0x18400] =	vst v63  }
0x6d: {  	_ =	swait.ge [sflag:s9], $0xA00  }
0x6e: {  	[sflag:s9] =	ssyncset.done $0x0  }
0x6f: {  	s6 =	simm.s32 $0x400;
	[sflag:s9] =	ssyncadd.s32 $0xFFFFF600  }
0x70: {  	[tilespmem:s11], [sflag:$0x1] =	stream.indirect.gather [spmem:s1], $0x80, s6, s10, $0xb8;
	[tilespmem:$0x18400] =	vst v63  }
0x71: {  	s7 =	simm.s32 $0x480  }
0x72: {  	[tilespmem:s12], [sflag:$0x1] =	stream.indirect.gather [spmem:s1], $0x80, s7, s10, $0xb8;
	[tilespmem:$0x18400] =	vst v63  }
0x73: {  	_ =	swait.ge [sflag:s26], $0x2800  }
0x74: {  	[sflag:s26] =	ssyncset.done $0x0  }
0x75: {  	[sflag:s26] =	ssyncadd.s32 $0xFFFFD800  }
0x76: {  	_ =	swait.ge [sflag:s26], $0x2800  }
0x77: {  	[sflag:s26] =	ssyncset.done $0x0  }
0x78: {  	s5 =	sadd.s32 $0xC00, s0;
	[sflag:s26] =	ssyncadd.s32 $0xFFFFD800  }
0x79: {  	[hbm4b:s5+s2] =	stream.linear.scatter [tilespmem:s13], [sflag:$0x5], $0xA00, $0x38;
	[tilespmem:$0x18400] =	vst v63  }
0x7a: {  	_ =	swait.ge [sflag:s9], $0xA00  }
0x7b: {  	[sflag:s9] =	ssyncset.done $0x0  }
0x7c: {  	s6 =	sadd.s32 $0xD80, s0;
	s7 =	simm.s32 $0x9E00;
	[sflag:s9] =	ssyncadd.s32 $0xFFFFF600  }
0x7d: {  	[hbm4b:s6+s2] =	stream.linear.scatter [tilespmem:s7], [sflag:$0x5], $0xA00, $0x38;
	[tilespmem:$0x18400] =	vst v63  }
0x7e: {  	_ =	swait.ge [sflag:s9], $0xA00  }
0x7f: {  	[sflag:s9] =	ssyncset.done $0x0  }
0x80: {  	s6 =	sadd.s32 $0xF00, s0;
	s7 =	simm.s32 $0xA800;
	[sflag:s9] =	ssyncadd.s32 $0xFFFFF600  }
0x81: {  	[hbm4b:s6+s2] =	stream.linear.scatter [tilespmem:s7], [sflag:$0x5], $0xA00, $0x38;
	[tilespmem:$0x18400] =	vst v63  }
0x82: {  	_ =	swait.ge [sflag:s9], $0xA00  }
0x83: {  	[sflag:s9] =	ssyncset.done $0x0  }
0x84: {  	s6 =	sadd.s32 $0x1080, s0;
	s7 =	simm.s32 $0xB200;
	[sflag:s9] =	ssyncadd.s32 $0xFFFFF600  }
0x85: {  	[hbm4b:s6+s2] =	stream.linear.scatter [tilespmem:s7], [sflag:$0x5], $0xA00, $0x38;
	[tilespmem:$0x18400] =	vst v63  }
0x86: {  	_ =	swait.ge [sflag:s9], $0xA00  }
0x87: {  	[sflag:s9] =	ssyncset.done $0x0  }
0x88: {  	s5 =	sadd.s32 $0x1200, s0;
	[sflag:s9] =	ssyncadd.s32 $0xFFFFF600  }
0x89: {  	[hbm4b:s5+s2] =	stream.linear.scatter [tilespmem:s14], [sflag:$0x5], $0xA00, $0x38;
	[tilespmem:$0x18400] =	vst v63  }
0x8a: {  	_ =	swait.ge [sflag:s9], $0xA00  }
0x8b: {  	[sflag:s9] =	ssyncset.done $0x0  }
0x8c: {  	s6 =	sadd.s32 $0x1380, s0;
	s7 =	simm.s32 $0xC600;
	[sflag:s9] =	ssyncadd.s32 $0xFFFFF600  }
0x8d: {  	[hbm4b:s6+s2] =	stream.linear.scatter [tilespmem:s7], [sflag:$0x5], $0xA00, $0x38;
	[tilespmem:$0x18400] =	vst v63  }
0x8e: {  	_ =	swait.ge [sflag:s9], $0xA00  }
0x8f: {  	[sflag:s9] =	ssyncset.done $0x0  }
0x90: {  	s6 =	sadd.s32 $0x1500, s0;
	s7 =	simm.s32 $0xD000;
	[sflag:s9] =	ssyncadd.s32 $0xFFFFF600  }
0x91: {  	[hbm4b:s6+s2] =	stream.linear.scatter [tilespmem:s7], [sflag:$0x5], $0xA00, $0x38;
	[tilespmem:$0x18400] =	vst v63  }
0x92: {  	_ =	swait.ge [sflag:s9], $0xA00  }
0x93: {  	[sflag:s9] =	ssyncset.done $0x0  }
0x94: {  	s6 =	sadd.s32 $0x1680, s0;
	s7 =	simm.s32 $0xDA00;
	[sflag:s9] =	ssyncadd.s32 $0xFFFFF600  }
0x95: {  	[hbm4b:s6+s2] =	stream.linear.scatter [tilespmem:s7], [sflag:$0x5], $0xA00, $0x38;
	[tilespmem:$0x18400] =	vst v63  }
0x96: {  	_ =	swait.ge [sflag:s9], $0xA00  }
0x97: {  	[sflag:s9] =	ssyncset.done $0x0  }
0x98: {  	s6 =	simm.s32 $0x500;
	[sflag:s9] =	ssyncadd.s32 $0xFFFFF600  }
0x99: {  	[tilespmem:s13], [sflag:$0x2] =	stream.indirect.gather [spmem:s1], $0x80, s6, s10, $0xb8;
	[tilespmem:$0x18400] =	vst v63  }
0x9a: {  	s7 =	simm.s32 $0x580  }
0x9b: {  	[tilespmem:s14], [sflag:$0x2] =	stream.indirect.gather [spmem:s1], $0x80, s7, s10, $0xb8;
	[tilespmem:$0x18400] =	vst v63  }
0x9c: {  	_ =	swait.ge [sflag:s4], $0x2800  }
0x9d: {  	[sflag:s4] =	ssyncset.done $0x0  }
0x9e: {  	[sflag:s4] =	ssyncadd.s32 $0xFFFFD800  }
0x9f: {  	_ =	swait.ge [sflag:s4], $0x2800  }
0xa0: {  	[sflag:s4] =	ssyncset.done $0x0  }
0xa1: {  	s5 =	sadd.s32 $0x1800, s0;
	[sflag:s4] =	ssyncadd.s32 $0xFFFFD800  }
0xa2: {  	[hbm4b:s5+s2] =	stream.linear.scatter [tilespmem:s15], [sflag:$0x5], $0xA00, $0x38;
	[tilespmem:$0x18400] =	vst v63  }
0xa3: {  	_ =	swait.ge [sflag:s9], $0xA00  }
0xa4: {  	[sflag:s9] =	ssyncset.done $0x0  }
0xa5: {  	s6 =	sadd.s32 $0x1980, s0;
	s7 =	simm.s32 $0xEE00;
	[sflag:s9] =	ssyncadd.s32 $0xFFFFF600  }
0xa6: {  	[hbm4b:s6+s2] =	stream.linear.scatter [tilespmem:s7], [sflag:$0x5], $0xA00, $0x38;
	[tilespmem:$0x18400] =	vst v63  }
0xa7: {  	_ =	swait.ge [sflag:s9], $0xA00  }
0xa8: {  	[sflag:s9] =	ssyncset.done $0x0  }
0xa9: {  	s6 =	sadd.s32 $0x1B00, s0;
	s7 =	simm.s32 $0xF800;
	[sflag:s9] =	ssyncadd.s32 $0xFFFFF600  }
0xaa: {  	[hbm4b:s6+s2] =	stream.linear.scatter [tilespmem:s7], [sflag:$0x5], $0xA00, $0x38;
	[tilespmem:$0x18400] =	vst v63  }
0xab: {  	_ =	swait.ge [sflag:s9], $0xA00  }
0xac: {  	[sflag:s9] =	ssyncset.done $0x0  }
0xad: {  	s6 =	sadd.s32 $0x1C80, s0;
	s7 =	simm.s32 $0x10200;
	[sflag:s9] =	ssyncadd.s32 $0xFFFFF600  }
0xae: {  	[hbm4b:s6+s2] =	stream.linear.scatter [tilespmem:s7], [sflag:$0x5], $0xA00, $0x38;
	[tilespmem:$0x18400] =	vst v63  }
0xaf: {  	_ =	swait.ge [sflag:s9], $0xA00  }
0xb0: {  	[sflag:s9] =	ssyncset.done $0x0  }
0xb1: {  	s6 =	sadd.s32 $0x1E00, s0;
	[sflag:s9] =	ssyncadd.s32 $0xFFFFF600  }
0xb2: {  	[hbm4b:s6+s2] =	stream.linear.scatter [tilespmem:s16], [sflag:$0x5], $0xA00, $0x38;
	[tilespmem:$0x18400] =	vst v63  }
0xb3: {  	_ =	swait.ge [sflag:s9], $0xA00  }
0xb4: {  	[sflag:s9] =	ssyncset.done $0x0  }
0xb5: {  	s7 =	sadd.s32 $0x1F80, s0;
	[sflag:s9] =	ssyncadd.s32 $0xFFFFF600  }
0xb6: {  	[hbm4b:s7+s2] =	stream.linear.scatter [tilespmem:s8], [sflag:$0x5], $0xA00, $0x38;
	[tilespmem:$0x18400] =	vst v63  }
0xb7: {  	_ =	swait.ge [sflag:s9], $0xA00  }
0xb8: {  	[sflag:s9] =	ssyncset.done $0x0  }
0xb9: {  	s5 =	sadd.s32 $0x2100, s0;
	[sflag:s9] =	ssyncadd.s32 $0xFFFFF600  }
0xba: {  	[hbm4b:s5+s2] =	stream.linear.scatter [tilespmem:s20], [sflag:$0x5], $0xA00, $0x38;
	[tilespmem:$0x18400] =	vst v63  }
0xbb: {  	_ =	swait.ge [sflag:s9], $0xA00  }
0xbc: {  	[sflag:s9] =	ssyncset.done $0x0  }
0xbd: {  	s6 =	sadd.s32 $0x2280, s0;
	[sflag:s9] =	ssyncadd.s32 $0xFFFFF600  }
0xbe: {  	[hbm4b:s6+s2] =	stream.linear.scatter [tilespmem:s21], [sflag:$0x5], $0xA00, $0x38;
	[tilespmem:$0x18400] =	vst v63  }
0xbf: {  	_ =	swait.ge [sflag:s9], $0xA00  }
0xc0: {  	[sflag:s9] =	ssyncset.done $0x0  }
0xc1: {  	s7 =	simm.s32 $0x600;
	[sflag:s9] =	ssyncadd.s32 $0xFFFFF600  }
0xc2: {  	[tilespmem:s15], [sflag:$0x3] =	stream.indirect.gather [spmem:s1], $0x80, s7, s10, $0xb8;
	[tilespmem:$0x18400] =	vst v63  }
0xc3: {  	s5 =	simm.s32 $0x680  }
0xc4: {  	[tilespmem:s16], [sflag:$0x3] =	stream.indirect.gather [spmem:s1], $0x80, s5, s10, $0xb8;
	[tilespmem:$0x18400] =	vst v63  }
0xc5: {  	_ =	swait.ge [sflag:s22], $0x2800  }
0xc6: {  	[sflag:s22] =	ssyncset.done $0x0  }
0xc7: {  	[sflag:s22] =	ssyncadd.s32 $0xFFFFD800  }
0xc8: {  	_ =	swait.ge [sflag:s22], $0x2800  }
0xc9: {  	[sflag:s22] =	ssyncset.done $0x0  }
0xca: {  	s6 =	sadd.s32 $0x2400, s0;
	[sflag:s22] =	ssyncadd.s32 $0xFFFFD800  }
0xcb: {  	[hbm4b:s6+s2] =	stream.linear.scatter [tilespmem:s17], [sflag:$0x5], $0xA00, $0x38;
	[tilespmem:$0x18400] =	vst v63  }
0xcc: {  	_ =	swait.ge [sflag:s9], $0xA00  }
0xcd: {  	[sflag:s9] =	ssyncset.done $0x0  }
0xce: {  	s7 =	sadd.s32 $0x2580, s0;
	[sflag:s9] =	ssyncadd.s32 $0xFFFFF600  }
0xcf: {  	[hbm4b:s7+s2] =	stream.linear.scatter [tilespmem:s23], [sflag:$0x5], $0xA00, $0x38;
	[tilespmem:$0x18400] =	vst v63  }
0xd0: {  	_ =	swait.ge [sflag:s9], $0xA00  }
0xd1: {  	[sflag:s9] =	ssyncset.done $0x0  }
0xd2: {  	s5 =	sadd.s32 $0x2700, s0;
	[sflag:s9] =	ssyncadd.s32 $0xFFFFF600  }
0xd3: {  	[hbm4b:s5+s2] =	stream.linear.scatter [tilespmem:s24], [sflag:$0x5], $0xA00, $0x38;
	[tilespmem:$0x18400] =	vst v63  }
0xd4: {  	_ =	swait.ge [sflag:s9], $0xA00  }
0xd5: {  	[sflag:s9] =	ssyncset.done $0x0  }
0xd6: {  	s6 =	sadd.s32 $0x2880, s0;
	[sflag:s9] =	ssyncadd.s32 $0xFFFFF600  }
0xd7: {  	[hbm4b:s6+s2] =	stream.linear.scatter [tilespmem:s25], [sflag:$0x5], $0xA00, $0x38;
	[tilespmem:$0x18400] =	vst v63  }
0xd8: {  	_ =	swait.ge [sflag:s9], $0xA00  }
0xd9: {  	[sflag:s9] =	ssyncset.done $0x0  }
0xda: {  	s7 =	sadd.s32 $0x2A00, s0;
	[sflag:s9] =	ssyncadd.s32 $0xFFFFF600  }
0xdb: {  	[hbm4b:s7+s2] =	stream.linear.scatter [tilespmem:s18], [sflag:$0x5], $0xA00, $0x38;
	[tilespmem:$0x18400] =	vst v63  }
0xdc: {  	_ =	swait.ge [sflag:s9], $0xA00  }
0xdd: {  	[sflag:s9] =	ssyncset.done $0x0  }
0xde: {  	s5 =	sadd.s32 $0x2B80, s0;
	[sflag:s9] =	ssyncadd.s32 $0xFFFFF600  }
0xdf: {  	[hbm4b:s5+s2] =	stream.linear.scatter [tilespmem:s28], [sflag:$0x5], $0xA00, $0x38;
	[tilespmem:$0x18400] =	vst v63  }
0xe0: {  	_ =	swait.ge [sflag:s9], $0xA00  }
0xe1: {  	[sflag:s9] =	ssyncset.done $0x0  }
0xe2: {  	s6 =	sadd.s32 $0x2D00, s0;
	[sflag:s9] =	ssyncadd.s32 $0xFFFFF600  }
0xe3: {  	[hbm4b:s6+s2] =	stream.linear.scatter [tilespmem:s29], [sflag:$0x5], $0xA00, $0x38;
	[tilespmem:$0x18400] =	vst v63  }
0xe4: {  	_ =	swait.ge [sflag:s9], $0xA00  }
0xe5: {  	[sflag:s9] =	ssyncset.done $0x0  }
0xe6: {  	s0 =	sadd.s32 $0x2E80, s0;
	[sflag:s9] =	ssyncadd.s32 $0xFFFFF600  }
0xe7: {  	[hbm4b:s0+s2] =	stream.linear.scatter [tilespmem:s30], [sflag:$0x5], $0xA00, $0x38;
	[tilespmem:$0x18400] =	vst v63  }
0xe8: {  	_ =	swait.ge [sflag:s9], $0xA00  }
0xe9: {  	s31 =	simm.s32 $0x780;
	s3 =	simm.s32 $0xB80;
	[sflag:s9] =	ssyncset.done $0x0  }
0xea: {  	s7 =	simm.s32 $0x700;
	s0 =	simm.s32 $0x3000;
	[sflag:s9] =	ssyncadd.s32 $0xFFFFF600  }
0xeb: {  	[tilespmem:s17], [sflag:$0x4] =	stream.indirect.gather [spmem:s1], $0x80, s7, s10, $0xb8;
	[tilespmem:$0x18400] =	vst v63  }
.LBB2_2:
0xec: {  	[tilespmem:s18], [sflag:$0x4] =	stream.indirect.gather [spmem:s1], $0x80, s31, s10, $0xb8;
	[tilespmem:$0x18400] =	vst v63  }
0xed: {  	_ =	swait.ge [sflag:s19], $0x2800  }
0xee: {  	[sflag:s19] =	ssyncset.done $0x0  }
0xef: {  	[sflag:s19] =	ssyncadd.s32 $0xFFFFD800  }
0xf0: {  	_ =	swait.ge [sflag:s19], $0x2800  }
0xf1: {  	s5 =	smov.u32 s0;
	s6 =	rddreg [dreg:$0x4];
	[sflag:s19] =	ssyncset.done $0x0  }
0xf2: {  	[sflag:s19] =	ssyncadd.s32 $0xFFFFD800;
	s5 =	sadd.s32 s5, s6  }
0xf3: {  	[hbm4b:s5+s2] =	stream.linear.scatter [tilespmem:s11], [sflag:$0x5], $0xA00, $0x38;
	[tilespmem:$0x18400] =	vst v63  }
0xf4: {  	_ =	swait.ge [sflag:s9], $0xA00  }
0xf5: {  	[sflag:s9] =	ssyncset.done $0x0  }
0xf6: {  	s7 =	simm.s32 $0x4E00;
	s6 =	sadd.s32 $0x180, s5;
	[sflag:s9] =	ssyncadd.s32 $0xFFFFF600  }
0xf7: {  	[hbm4b:s6+s2] =	stream.linear.scatter [tilespmem:s7], [sflag:$0x5], $0xA00, $0x38;
	[tilespmem:$0x18400] =	vst v63  }
0xf8: {  	_ =	swait.ge [sflag:s9], $0xA00  }
0xf9: {  	[sflag:s9] =	ssyncset.done $0x0  }
0xfa: {  	s6 =	sadd.s32 $0x300, s5;
	s7 =	simm.s32 $0x5800;
	[sflag:s9] =	ssyncadd.s32 $0xFFFFF600  }
0xfb: {  	[hbm4b:s6+s2] =	stream.linear.scatter [tilespmem:s7], [sflag:$0x5], $0xA00, $0x38;
	[tilespmem:$0x18400] =	vst v63  }
0xfc: {  	_ =	swait.ge [sflag:s9], $0xA00  }
0xfd: {  	[sflag:s9] =	ssyncset.done $0x0  }
0xfe: {  	s6 =	sadd.s32 $0x480, s5;
	s7 =	simm.s32 $0x6200;
	[sflag:s9] =	ssyncadd.s32 $0xFFFFF600  }
0xff: {  	[hbm4b:s6+s2] =	stream.linear.scatter [tilespmem:s7], [sflag:$0x5], $0xA00, $0x38;
	[tilespmem:$0x18400] =	vst v63  }
0x100: {  	_ =	swait.ge [sflag:s9], $0xA00  }
0x101: {  	[sflag:s9] =	ssyncset.done $0x0  }
0x102: {  	s7 =	sadd.s32 $0x600, s5;
	[sflag:s9] =	ssyncadd.s32 $0xFFFFF600  }
0x103: {  	[hbm4b:s7+s2] =	stream.linear.scatter [tilespmem:s12], [sflag:$0x5], $0xA00, $0x38;
	[tilespmem:$0x18400] =	vst v63  }
0x104: {  	_ =	swait.ge [sflag:s9], $0xA00  }
0x105: {  	[sflag:s9] =	ssyncset.done $0x0  }
0x106: {  	s6 =	sadd.s32 $0x780, s5;
	s7 =	simm.s32 $0x7600;
	[sflag:s9] =	ssyncadd.s32 $0xFFFFF600  }
0x107: {  	[hbm4b:s6+s2] =	stream.linear.scatter [tilespmem:s7], [sflag:$0x5], $0xA00, $0x38;
	[tilespmem:$0x18400] =	vst v63  }
0x108: {  	_ =	swait.ge [sflag:s9], $0xA00  }
0x109: {  	[sflag:s9] =	ssyncset.done $0x0  }
0x10a: {  	s6 =	sadd.s32 $0x900, s5;
	s7 =	simm.s32 $0x8000;
	[sflag:s9] =	ssyncadd.s32 $0xFFFFF600  }
0x10b: {  	[hbm4b:s6+s2] =	stream.linear.scatter [tilespmem:s7], [sflag:$0x5], $0xA00, $0x38;
	[tilespmem:$0x18400] =	vst v63  }
0x10c: {  	_ =	swait.ge [sflag:s9], $0xA00  }
0x10d: {  	[sflag:s9] =	ssyncset.done $0x0  }
0x10e: {  	s6 =	sadd.s32 $0xA80, s5;
	s7 =	simm.s32 $0x8A00;
	[sflag:s9] =	ssyncadd.s32 $0xFFFFF600  }
0x10f: {  	[hbm4b:s6+s2] =	stream.linear.scatter [tilespmem:s7], [sflag:$0x5], $0xA00, $0x38;
	[tilespmem:$0x18400] =	vst v63  }
0x110: {  	_ =	swait.ge [sflag:s9], $0xA00  }
0x111: {  	[sflag:s9] =	ssyncset.done $0x0  }
0x112: {  	s7 =	sadd.s32 $0xFFFFFC80, s3;
	[sflag:s9] =	ssyncadd.s32 $0xFFFFF600  }
0x113: {  	[tilespmem:s11], [sflag:$0x1] =	stream.indirect.gather [spmem:s1], $0x80, s7, s10, $0xb8;
	[tilespmem:$0x18400] =	vst v63  }
0x114: {  	s7 =	sadd.s32 $0xFFFFFD00, s3  }
0x115: {  	[tilespmem:s12], [sflag:$0x1] =	stream.indirect.gather [spmem:s1], $0x80, s7, s10, $0xb8;
	[tilespmem:$0x18400] =	vst v63  }
0x116: {  	_ =	swait.ge [sflag:s26], $0x2800  }
0x117: {  	[sflag:s26] =	ssyncset.done $0x0  }
0x118: {  	[sflag:s26] =	ssyncadd.s32 $0xFFFFD800  }
0x119: {  	_ =	swait.ge [sflag:s26], $0x2800  }
0x11a: {  	[sflag:s26] =	ssyncset.done $0x0  }
0x11b: {  	s7 =	sadd.s32 $0xC00, s5;
	[sflag:s26] =	ssyncadd.s32 $0xFFFFD800  }
0x11c: {  	[hbm4b:s7+s2] =	stream.linear.scatter [tilespmem:s13], [sflag:$0x5], $0xA00, $0x38;
	[tilespmem:$0x18400] =	vst v63  }
0x11d: {  	_ =	swait.ge [sflag:s9], $0xA00  }
0x11e: {  	[sflag:s9] =	ssyncset.done $0x0  }
0x11f: {  	s6 =	sadd.s32 $0xD80, s5;
	s7 =	simm.s32 $0x9E00;
	[sflag:s9] =	ssyncadd.s32 $0xFFFFF600  }
0x120: {  	[hbm4b:s6+s2] =	stream.linear.scatter [tilespmem:s7], [sflag:$0x5], $0xA00, $0x38;
	[tilespmem:$0x18400] =	vst v63  }
0x121: {  	_ =	swait.ge [sflag:s9], $0xA00  }
0x122: {  	[sflag:s9] =	ssyncset.done $0x0  }
0x123: {  	s6 =	sadd.s32 $0xF00, s5;
	s7 =	simm.s32 $0xA800;
	[sflag:s9] =	ssyncadd.s32 $0xFFFFF600  }
0x124: {  	[hbm4b:s6+s2] =	stream.linear.scatter [tilespmem:s7], [sflag:$0x5], $0xA00, $0x38;
	[tilespmem:$0x18400] =	vst v63  }
0x125: {  	_ =	swait.ge [sflag:s9], $0xA00  }
0x126: {  	[sflag:s9] =	ssyncset.done $0x0  }
0x127: {  	s6 =	sadd.s32 $0x1080, s5;
	s7 =	simm.s32 $0xB200;
	[sflag:s9] =	ssyncadd.s32 $0xFFFFF600  }
0x128: {  	[hbm4b:s6+s2] =	stream.linear.scatter [tilespmem:s7], [sflag:$0x5], $0xA00, $0x38;
	[tilespmem:$0x18400] =	vst v63  }
0x129: {  	_ =	swait.ge [sflag:s9], $0xA00  }
0x12a: {  	[sflag:s9] =	ssyncset.done $0x0  }
0x12b: {  	s7 =	sadd.s32 $0x1200, s5;
	[sflag:s9] =	ssyncadd.s32 $0xFFFFF600  }
0x12c: {  	[hbm4b:s7+s2] =	stream.linear.scatter [tilespmem:s14], [sflag:$0x5], $0xA00, $0x38;
	[tilespmem:$0x18400] =	vst v63  }
0x12d: {  	_ =	swait.ge [sflag:s9], $0xA00  }
0x12e: {  	[sflag:s9] =	ssyncset.done $0x0  }
0x12f: {  	s6 =	sadd.s32 $0x1380, s5;
	s7 =	simm.s32 $0xC600;
	[sflag:s9] =	ssyncadd.s32 $0xFFFFF600  }
0x130: {  	[hbm4b:s6+s2] =	stream.linear.scatter [tilespmem:s7], [sflag:$0x5], $0xA00, $0x38;
	[tilespmem:$0x18400] =	vst v63  }
0x131: {  	_ =	swait.ge [sflag:s9], $0xA00  }
0x132: {  	[sflag:s9] =	ssyncset.done $0x0  }
0x133: {  	s6 =	sadd.s32 $0x1500, s5;
	s7 =	simm.s32 $0xD000;
	[sflag:s9] =	ssyncadd.s32 $0xFFFFF600  }
0x134: {  	[hbm4b:s6+s2] =	stream.linear.scatter [tilespmem:s7], [sflag:$0x5], $0xA00, $0x38;
	[tilespmem:$0x18400] =	vst v63  }
0x135: {  	_ =	swait.ge [sflag:s9], $0xA00  }
0x136: {  	[sflag:s9] =	ssyncset.done $0x0  }
0x137: {  	s6 =	sadd.s32 $0x1680, s5;
	s7 =	simm.s32 $0xDA00;
	[sflag:s9] =	ssyncadd.s32 $0xFFFFF600  }
0x138: {  	[hbm4b:s6+s2] =	stream.linear.scatter [tilespmem:s7], [sflag:$0x5], $0xA00, $0x38;
	[tilespmem:$0x18400] =	vst v63  }
0x139: {  	_ =	swait.ge [sflag:s9], $0xA00  }
0x13a: {  	[sflag:s9] =	ssyncset.done $0x0  }
0x13b: {  	s7 =	sadd.s32 $0xFFFFFD80, s3;
	[sflag:s9] =	ssyncadd.s32 $0xFFFFF600  }
0x13c: {  	[tilespmem:s13], [sflag:$0x2] =	stream.indirect.gather [spmem:s1], $0x80, s7, s10, $0xb8;
	[tilespmem:$0x18400] =	vst v63  }
0x13d: {  	s7 =	sadd.s32 $0xFFFFFE00, s3  }
0x13e: {  	[tilespmem:s14], [sflag:$0x2] =	stream.indirect.gather [spmem:s1], $0x80, s7, s10, $0xb8;
	[tilespmem:$0x18400] =	vst v63  }
0x13f: {  	_ =	swait.ge [sflag:s4], $0x2800  }
0x140: {  	[sflag:s4] =	ssyncset.done $0x0  }
0x141: {  	[sflag:s4] =	ssyncadd.s32 $0xFFFFD800  }
0x142: {  	_ =	swait.ge [sflag:s4], $0x2800  }
0x143: {  	[sflag:s4] =	ssyncset.done $0x0  }
0x144: {  	s7 =	sadd.s32 $0x1800, s5;
	[sflag:s4] =	ssyncadd.s32 $0xFFFFD800  }
0x145: {  	[hbm4b:s7+s2] =	stream.linear.scatter [tilespmem:s15], [sflag:$0x5], $0xA00, $0x38;
	[tilespmem:$0x18400] =	vst v63  }
0x146: {  	_ =	swait.ge [sflag:s9], $0xA00  }
0x147: {  	[sflag:s9] =	ssyncset.done $0x0  }
0x148: {  	s6 =	sadd.s32 $0x1980, s5;
	s7 =	simm.s32 $0xEE00;
	[sflag:s9] =	ssyncadd.s32 $0xFFFFF600  }
0x149: {  	[hbm4b:s6+s2] =	stream.linear.scatter [tilespmem:s7], [sflag:$0x5], $0xA00, $0x38;
	[tilespmem:$0x18400] =	vst v63  }
0x14a: {  	_ =	swait.ge [sflag:s9], $0xA00  }
0x14b: {  	[sflag:s9] =	ssyncset.done $0x0  }
0x14c: {  	s6 =	sadd.s32 $0x1B00, s5;
	s7 =	simm.s32 $0xF800;
	[sflag:s9] =	ssyncadd.s32 $0xFFFFF600  }
0x14d: {  	[hbm4b:s6+s2] =	stream.linear.scatter [tilespmem:s7], [sflag:$0x5], $0xA00, $0x38;
	[tilespmem:$0x18400] =	vst v63  }
0x14e: {  	_ =	swait.ge [sflag:s9], $0xA00  }
0x14f: {  	[sflag:s9] =	ssyncset.done $0x0  }
0x150: {  	s6 =	sadd.s32 $0x1C80, s5;
	s7 =	simm.s32 $0x10200;
	[sflag:s9] =	ssyncadd.s32 $0xFFFFF600  }
0x151: {  	[hbm4b:s6+s2] =	stream.linear.scatter [tilespmem:s7], [sflag:$0x5], $0xA00, $0x38;
	[tilespmem:$0x18400] =	vst v63  }
0x152: {  	_ =	swait.ge [sflag:s9], $0xA00  }
0x153: {  	[sflag:s9] =	ssyncset.done $0x0  }
0x154: {  	s7 =	sadd.s32 $0x1E00, s5;
	[sflag:s9] =	ssyncadd.s32 $0xFFFFF600  }
0x155: {  	[hbm4b:s7+s2] =	stream.linear.scatter [tilespmem:s16], [sflag:$0x5], $0xA00, $0x38;
	[tilespmem:$0x18400] =	vst v63  }
0x156: {  	_ =	swait.ge [sflag:s9], $0xA00  }
0x157: {  	[sflag:s9] =	ssyncset.done $0x0  }
0x158: {  	s7 =	sadd.s32 $0x1F80, s5;
	[sflag:s9] =	ssyncadd.s32 $0xFFFFF600  }
0x159: {  	[hbm4b:s7+s2] =	stream.linear.scatter [tilespmem:s8], [sflag:$0x5], $0xA00, $0x38;
	[tilespmem:$0x18400] =	vst v63  }
0x15a: {  	_ =	swait.ge [sflag:s9], $0xA00  }
0x15b: {  	[sflag:s9] =	ssyncset.done $0x0  }
0x15c: {  	s7 =	sadd.s32 $0x2100, s5;
	[sflag:s9] =	ssyncadd.s32 $0xFFFFF600  }
0x15d: {  	[hbm4b:s7+s2] =	stream.linear.scatter [tilespmem:s20], [sflag:$0x5], $0xA00, $0x38;
	[tilespmem:$0x18400] =	vst v63  }
0x15e: {  	_ =	swait.ge [sflag:s9], $0xA00  }
0x15f: {  	[sflag:s9] =	ssyncset.done $0x0  }
0x160: {  	s7 =	sadd.s32 $0x2280, s5;
	[sflag:s9] =	ssyncadd.s32 $0xFFFFF600  }
0x161: {  	[hbm4b:s7+s2] =	stream.linear.scatter [tilespmem:s21], [sflag:$0x5], $0xA00, $0x38;
	[tilespmem:$0x18400] =	vst v63  }
0x162: {  	_ =	swait.ge [sflag:s9], $0xA00  }
0x163: {  	[sflag:s9] =	ssyncset.done $0x0  }
0x164: {  	s7 =	sadd.s32 $0xFFFFFE80, s3;
	[sflag:s9] =	ssyncadd.s32 $0xFFFFF600  }
0x165: {  	[tilespmem:s15], [sflag:$0x3] =	stream.indirect.gather [spmem:s1], $0x80, s7, s10, $0xb8;
	[tilespmem:$0x18400] =	vst v63  }
0x166: {  	s7 =	sadd.s32 $0xFFFFFF00, s3  }
0x167: {  	[tilespmem:s16], [sflag:$0x3] =	stream.indirect.gather [spmem:s1], $0x80, s7, s10, $0xb8;
	[tilespmem:$0x18400] =	vst v63  }
0x168: {  	_ =	swait.ge [sflag:s22], $0x2800  }
0x169: {  	[sflag:s22] =	ssyncset.done $0x0  }
0x16a: {  	[sflag:s22] =	ssyncadd.s32 $0xFFFFD800  }
0x16b: {  	_ =	swait.ge [sflag:s22], $0x2800  }
0x16c: {  	[sflag:s22] =	ssyncset.done $0x0  }
0x16d: {  	s7 =	sadd.s32 $0x2400, s5;
	[sflag:s22] =	ssyncadd.s32 $0xFFFFD800  }
0x16e: {  	[hbm4b:s7+s2] =	stream.linear.scatter [tilespmem:s17], [sflag:$0x5], $0xA00, $0x38;
	[tilespmem:$0x18400] =	vst v63  }
0x16f: {  	_ =	swait.ge [sflag:s9], $0xA00  }
0x170: {  	[sflag:s9] =	ssyncset.done $0x0  }
0x171: {  	s7 =	sadd.s32 $0x2580, s5;
	[sflag:s9] =	ssyncadd.s32 $0xFFFFF600  }
0x172: {  	[hbm4b:s7+s2] =	stream.linear.scatter [tilespmem:s23], [sflag:$0x5], $0xA00, $0x38;
	[tilespmem:$0x18400] =	vst v63  }
0x173: {  	_ =	swait.ge [sflag:s9], $0xA00  }
0x174: {  	[sflag:s9] =	ssyncset.done $0x0  }
0x175: {  	s7 =	sadd.s32 $0x2700, s5;
	[sflag:s9] =	ssyncadd.s32 $0xFFFFF600  }
0x176: {  	[hbm4b:s7+s2] =	stream.linear.scatter [tilespmem:s24], [sflag:$0x5], $0xA00, $0x38;
	[tilespmem:$0x18400] =	vst v63  }
0x177: {  	_ =	swait.ge [sflag:s9], $0xA00  }
0x178: {  	[sflag:s9] =	ssyncset.done $0x0  }
0x179: {  	s7 =	sadd.s32 $0x2880, s5;
	[sflag:s9] =	ssyncadd.s32 $0xFFFFF600  }
0x17a: {  	[hbm4b:s7+s2] =	stream.linear.scatter [tilespmem:s25], [sflag:$0x5], $0xA00, $0x38;
	[tilespmem:$0x18400] =	vst v63  }
0x17b: {  	_ =	swait.ge [sflag:s9], $0xA00  }
0x17c: {  	[sflag:s9] =	ssyncset.done $0x0  }
0x17d: {  	s7 =	sadd.s32 $0x2A00, s5;
	[sflag:s9] =	ssyncadd.s32 $0xFFFFF600  }
0x17e: {  	[hbm4b:s7+s2] =	stream.linear.scatter [tilespmem:s18], [sflag:$0x5], $0xA00, $0x38;
	[tilespmem:$0x18400] =	vst v63  }
0x17f: {  	_ =	swait.ge [sflag:s9], $0xA00  }
0x180: {  	[sflag:s9] =	ssyncset.done $0x0  }
0x181: {  	s7 =	sadd.s32 $0x2B80, s5;
	[sflag:s9] =	ssyncadd.s32 $0xFFFFF600  }
0x182: {  	[hbm4b:s7+s2] =	stream.linear.scatter [tilespmem:s28], [sflag:$0x5], $0xA00, $0x38;
	[tilespmem:$0x18400] =	vst v63  }
0x183: {  	_ =	swait.ge [sflag:s9], $0xA00  }
0x184: {  	[sflag:s9] =	ssyncset.done $0x0  }
0x185: {  	s7 =	sadd.s32 $0x2D00, s5;
	[sflag:s9] =	ssyncadd.s32 $0xFFFFF600  }
0x186: {  	[hbm4b:s7+s2] =	stream.linear.scatter [tilespmem:s29], [sflag:$0x5], $0xA00, $0x38;
	[tilespmem:$0x18400] =	vst v63  }
0x187: {  	_ =	swait.ge [sflag:s9], $0xA00  }
0x188: {  	[sflag:s9] =	ssyncset.done $0x0  }
0x189: {  	p1 =	sne.s32 s0, $0x2A000;
	s5 =	sadd.s32 $0x2E80, s5;
	[sflag:s9] =	ssyncadd.s32 $0xFFFFF600  }
0x18a: {  	[hbm4b:s5+s2] =	stream.linear.scatter [tilespmem:s30], [sflag:$0x5], $0xA00, $0x38;
	[tilespmem:$0x18400] =	vst v63  }
.Ltmp0:
0x18b: {  	_ = 	snop;
	(pc) =	sbr.rel @p1 .LBB2_2-.Ltmp0, $4  }
0x18c: {  	_ =	swait.ge [sflag:s9], $0xA00  }
0x18d: {  	s31 =	smov.u32 s3;
	s0 =	sadd.s32 $0x3000, s0;
	[sflag:s9] =	ssyncset.done $0x0  }
0x18e: {  	s7 =	sadd.s32 $0xFFFFFF80, s3;
	s3 =	sadd.s32 $0x400, s3;
	[sflag:s9] =	ssyncadd.s32 $0xFFFFF600  }
0x18f: {  	[tilespmem:s17], [sflag:$0x4] =	stream.indirect.gather [spmem:s1], $0x80, s7, s10, $0xb8;
	[tilespmem:$0x18400] =	vst v63  }
0x190: {  	[tilespmem:s18], [sflag:$0x4] =	stream.indirect.gather [spmem:s1], $0x80, s31, s10, $0xb8;
	[tilespmem:$0x18400] =	vst v63  }
0x191: {  	_ =	swait.ge [sflag:s19], $0x2800  }
0x192: {  	[sflag:s19] =	ssyncset.done $0x0  }
0x193: {  	[sflag:s19] =	ssyncadd.s32 $0xFFFFD800  }
0x194: {  	_ =	swait.ge [sflag:s19], $0x2800  }
0x195: {  	[sflag:s19] =	ssyncset.done $0x0  }
0x196: {  	s0 =	rddreg [dreg:$0x9];
	[sflag:s19] =	ssyncadd.s32 $0xFFFFD800  }
0x197: {  	[hbm4b:s0+s2] =	stream.linear.scatter [tilespmem:s11], [sflag:$0x5], $0xA00, $0x38;
	[tilespmem:$0x18400] =	vst v63  }
0x198: {  	_ =	swait.ge [sflag:s9], $0xA00  }
0x199: {  	[sflag:s9] =	ssyncset.done $0x0  }
0x19a: {  	s3 =	simm.s32 $0x4E00;
	s31 =	rddreg [dreg:$0xa];
	[sflag:s9] =	ssyncadd.s32 $0xFFFFF600  }
0x19b: {  	[hbm4b:s31+s2] =	stream.linear.scatter [tilespmem:s3], [sflag:$0x5], $0xA00, $0x38;
	[tilespmem:$0x18400] =	vst v63  }
0x19c: {  	_ =	swait.ge [sflag:s9], $0xA00  }
0x19d: {  	[sflag:s9] =	ssyncset.done $0x0  }
0x19e: {  	s6 =	simm.s32 $0x5800;
	s5 =	rddreg [dreg:$0xb];
	[sflag:s9] =	ssyncadd.s32 $0xFFFFF600  }
0x19f: {  	[hbm4b:s5+s2] =	stream.linear.scatter [tilespmem:s6], [sflag:$0x5], $0xA00, $0x38;
	[tilespmem:$0x18400] =	vst v63  }
0x1a0: {  	_ =	swait.ge [sflag:s9], $0xA00  }
0x1a1: {  	[sflag:s9] =	ssyncset.done $0x0  }
0x1a2: {  	s31 =	simm.s32 $0x6200;
	s7 =	rddreg [dreg:$0xc];
	[sflag:s9] =	ssyncadd.s32 $0xFFFFF600  }
0x1a3: {  	[hbm4b:s7+s2] =	stream.linear.scatter [tilespmem:s31], [sflag:$0x5], $0xA00, $0x38;
	[tilespmem:$0x18400] =	vst v63  }
0x1a4: {  	_ =	swait.ge [sflag:s9], $0xA00  }
0x1a5: {  	[sflag:s9] =	ssyncset.done $0x0  }
0x1a6: {  	s3 =	rddreg [dreg:$0xd];
	[sflag:s9] =	ssyncadd.s32 $0xFFFFF600  }
0x1a7: {  	[hbm4b:s3+s2] =	stream.linear.scatter [tilespmem:s12], [sflag:$0x5], $0xA00, $0x38;
	[tilespmem:$0x18400] =	vst v63  }
0x1a8: {  	_ =	swait.ge [sflag:s9], $0xA00  }
0x1a9: {  	[sflag:s9] =	ssyncset.done $0x0  }
0x1aa: {  	s6 =	simm.s32 $0x7600;
	s5 =	rddreg [dreg:$0xe];
	[sflag:s9] =	ssyncadd.s32 $0xFFFFF600  }
0x1ab: {  	[hbm4b:s5+s2] =	stream.linear.scatter [tilespmem:s6], [sflag:$0x5], $0xA00, $0x38;
	[tilespmem:$0x18400] =	vst v63  }
0x1ac: {  	_ =	swait.ge [sflag:s9], $0xA00  }
0x1ad: {  	[sflag:s9] =	ssyncset.done $0x0  }
0x1ae: {  	s31 =	simm.s32 $0x8000;
	s7 =	rddreg [dreg:$0xf];
	[sflag:s9] =	ssyncadd.s32 $0xFFFFF600  }
0x1af: {  	[hbm4b:s7+s2] =	stream.linear.scatter [tilespmem:s31], [sflag:$0x5], $0xA00, $0x38;
	[tilespmem:$0x18400] =	vst v63  }
0x1b0: {  	_ =	swait.ge [sflag:s9], $0xA00  }
0x1b1: {  	[sflag:s9] =	ssyncset.done $0x0  }
0x1b2: {  	s5 =	simm.s32 $0x8A00;
	s3 =	rddreg [dreg:$0x10];
	[sflag:s9] =	ssyncadd.s32 $0xFFFFF600  }
0x1b3: {  	[hbm4b:s3+s2] =	stream.linear.scatter [tilespmem:s5], [sflag:$0x5], $0xA00, $0x38;
	[tilespmem:$0x18400] =	vst v63  }
0x1b4: {  	_ =	swait.ge [sflag:s9], $0xA00  }
0x1b5: {  	[sflag:s9] =	ssyncset.done $0x0  }
0x1b6: {  	[sflag:s9] =	ssyncadd.s32 $0xFFFFF600  }
0x1b7: {  	_ =	swait.ge [sflag:s26], $0x2800  }
0x1b8: {  	[sflag:s26] =	ssyncset.done $0x0  }
0x1b9: {  	[sflag:s26] =	ssyncadd.s32 $0xFFFFD800  }
0x1ba: {  	_ =	swait.ge [sflag:s26], $0x2800  }
0x1bb: {  	[sflag:s26] =	ssyncset.done $0x0  }
0x1bc: {  	s6 =	rddreg [dreg:$0x11];
	[sflag:s26] =	ssyncadd.s32 $0xFFFFD800  }
0x1bd: {  	[hbm4b:s6+s2] =	stream.linear.scatter [tilespmem:s13], [sflag:$0x5], $0xA00, $0x38;
	[tilespmem:$0x18400] =	vst v63  }
0x1be: {  	_ =	swait.ge [sflag:s9], $0xA00  }
0x1bf: {  	[sflag:s9] =	ssyncset.done $0x0  }
0x1c0: {  	s31 =	simm.s32 $0x9E00;
	s7 =	rddreg [dreg:$0x12];
	[sflag:s9] =	ssyncadd.s32 $0xFFFFF600  }
0x1c1: {  	[hbm4b:s7+s2] =	stream.linear.scatter [tilespmem:s31], [sflag:$0x5], $0xA00, $0x38;
	[tilespmem:$0x18400] =	vst v63  }
0x1c2: {  	_ =	swait.ge [sflag:s9], $0xA00  }
0x1c3: {  	[sflag:s9] =	ssyncset.done $0x0  }
0x1c4: {  	s6 =	simm.s32 $0xA800;
	s5 =	rddreg [dreg:$0x13];
	[sflag:s9] =	ssyncadd.s32 $0xFFFFF600  }
0x1c5: {  	[hbm4b:s5+s2] =	stream.linear.scatter [tilespmem:s6], [sflag:$0x5], $0xA00, $0x38;
	[tilespmem:$0x18400] =	vst v63  }
0x1c6: {  	_ =	swait.ge [sflag:s9], $0xA00  }
0x1c7: {  	[sflag:s9] =	ssyncset.done $0x0  }
0x1c8: {  	s31 =	simm.s32 $0xB200;
	s7 =	rddreg [dreg:$0x14];
	[sflag:s9] =	ssyncadd.s32 $0xFFFFF600  }
0x1c9: {  	[hbm4b:s7+s2] =	stream.linear.scatter [tilespmem:s31], [sflag:$0x5], $0xA00, $0x38;
	[tilespmem:$0x18400] =	vst v63  }
0x1ca: {  	_ =	swait.ge [sflag:s9], $0xA00  }
0x1cb: {  	[sflag:s9] =	ssyncset.done $0x0  }
0x1cc: {  	s3 =	rddreg [dreg:$0x15];
	[sflag:s9] =	ssyncadd.s32 $0xFFFFF600  }
0x1cd: {  	[hbm4b:s3+s2] =	stream.linear.scatter [tilespmem:s14], [sflag:$0x5], $0xA00, $0x38;
	[tilespmem:$0x18400] =	vst v63  }
0x1ce: {  	_ =	swait.ge [sflag:s9], $0xA00  }
0x1cf: {  	[sflag:s9] =	ssyncset.done $0x0  }
0x1d0: {  	s6 =	simm.s32 $0xC600;
	s5 =	rddreg [dreg:$0x16];
	[sflag:s9] =	ssyncadd.s32 $0xFFFFF600  }
0x1d1: {  	[hbm4b:s5+s2] =	stream.linear.scatter [tilespmem:s6], [sflag:$0x5], $0xA00, $0x38;
	[tilespmem:$0x18400] =	vst v63  }
0x1d2: {  	_ =	swait.ge [sflag:s9], $0xA00  }
0x1d3: {  	[sflag:s9] =	ssyncset.done $0x0  }
0x1d4: {  	s31 =	simm.s32 $0xD000;
	s7 =	rddreg [dreg:$0x17];
	[sflag:s9] =	ssyncadd.s32 $0xFFFFF600  }
0x1d5: {  	[hbm4b:s7+s2] =	stream.linear.scatter [tilespmem:s31], [sflag:$0x5], $0xA00, $0x38;
	[tilespmem:$0x18400] =	vst v63  }
0x1d6: {  	_ =	swait.ge [sflag:s9], $0xA00  }
0x1d7: {  	[sflag:s9] =	ssyncset.done $0x0  }
0x1d8: {  	s5 =	simm.s32 $0xDA00;
	s3 =	rddreg [dreg:$0x18];
	[sflag:s9] =	ssyncadd.s32 $0xFFFFF600  }
0x1d9: {  	[hbm4b:s3+s2] =	stream.linear.scatter [tilespmem:s5], [sflag:$0x5], $0xA00, $0x38;
	[tilespmem:$0x18400] =	vst v63  }
0x1da: {  	_ =	swait.ge [sflag:s9], $0xA00  }
0x1db: {  	[sflag:s9] =	ssyncset.done $0x0  }
0x1dc: {  	[sflag:s9] =	ssyncadd.s32 $0xFFFFF600  }
0x1dd: {  	_ =	swait.ge [sflag:s4], $0x2800  }
0x1de: {  	[sflag:s4] =	ssyncset.done $0x0  }
0x1df: {  	[sflag:s4] =	ssyncadd.s32 $0xFFFFD800  }
0x1e0: {  	_ =	swait.ge [sflag:s4], $0x2800  }
0x1e1: {  	[sflag:s4] =	ssyncset.done $0x0  }
0x1e2: {  	s6 =	rddreg [dreg:$0x19];
	[sflag:s4] =	ssyncadd.s32 $0xFFFFD800  }
0x1e3: {  	[hbm4b:s6+s2] =	stream.linear.scatter [tilespmem:s15], [sflag:$0x5], $0xA00, $0x38;
	[tilespmem:$0x18400] =	vst v63  }
0x1e4: {  	_ =	swait.ge [sflag:s9], $0xA00  }
0x1e5: {  	[sflag:s9] =	ssyncset.done $0x0  }
0x1e6: {  	s31 =	simm.s32 $0xEE00;
	s7 =	rddreg [dreg:$0x1a];
	[sflag:s9] =	ssyncadd.s32 $0xFFFFF600  }
0x1e7: {  	[hbm4b:s7+s2] =	stream.linear.scatter [tilespmem:s31], [sflag:$0x5], $0xA00, $0x38;
	[tilespmem:$0x18400] =	vst v63  }
0x1e8: {  	_ =	swait.ge [sflag:s9], $0xA00  }
0x1e9: {  	[sflag:s9] =	ssyncset.done $0x0  }
0x1ea: {  	s6 =	simm.s32 $0xF800;
	s5 =	rddreg [dreg:$0x1b];
	[sflag:s9] =	ssyncadd.s32 $0xFFFFF600  }
0x1eb: {  	[hbm4b:s5+s2] =	stream.linear.scatter [tilespmem:s6], [sflag:$0x5], $0xA00, $0x38;
	[tilespmem:$0x18400] =	vst v63  }
0x1ec: {  	_ =	swait.ge [sflag:s9], $0xA00  }
0x1ed: {  	[sflag:s9] =	ssyncset.done $0x0  }
0x1ee: {  	s31 =	simm.s32 $0x10200;
	s7 =	rddreg [dreg:$0x1c];
	[sflag:s9] =	ssyncadd.s32 $0xFFFFF600  }
0x1ef: {  	[hbm4b:s7+s2] =	stream.linear.scatter [tilespmem:s31], [sflag:$0x5], $0xA00, $0x38;
	[tilespmem:$0x18400] =	vst v63  }
0x1f0: {  	_ =	swait.ge [sflag:s9], $0xA00  }
0x1f1: {  	[sflag:s9] =	ssyncset.done $0x0  }
0x1f2: {  	s5 =	rddreg [dreg:$0x1d];
	[sflag:s9] =	ssyncadd.s32 $0xFFFFF600  }
0x1f3: {  	[hbm4b:s5+s2] =	stream.linear.scatter [tilespmem:s16], [sflag:$0x5], $0xA00, $0x38;
	[tilespmem:$0x18400] =	vst v63  }
0x1f4: {  	_ =	swait.ge [sflag:s9], $0xA00  }
0x1f5: {  	[sflag:s9] =	ssyncset.done $0x0  }
0x1f6: {  	s6 =	rddreg [dreg:$0x1e];
	[sflag:s9] =	ssyncadd.s32 $0xFFFFF600  }
0x1f7: {  	[hbm4b:s6+s2] =	stream.linear.scatter [tilespmem:s8], [sflag:$0x5], $0xA00, $0x38;
	[tilespmem:$0x18400] =	vst v63  }
0x1f8: {  	_ =	swait.ge [sflag:s9], $0xA00  }
0x1f9: {  	[sflag:s9] =	ssyncset.done $0x0  }
0x1fa: {  	s7 =	rddreg [dreg:$0x1f];
	[sflag:s9] =	ssyncadd.s32 $0xFFFFF600  }
0x1fb: {  	[hbm4b:s7+s2] =	stream.linear.scatter [tilespmem:s20], [sflag:$0x5], $0xA00, $0x38;
	[tilespmem:$0x18400] =	vst v63  }
0x1fc: {  	_ =	swait.ge [sflag:s9], $0xA00  }
0x1fd: {  	s31 =	sld [smem:$0x7F6]  }
0x1fe: {  	[sflag:s9] =	ssyncset.done $0x0  }
0x1ff: {  	[sflag:s9] =	ssyncadd.s32 $0xFFFFF600  }
0x200: {  	[hbm4b:s31+s2] =	stream.linear.scatter [tilespmem:s21], [sflag:$0x5], $0xA00, $0x38;
	[tilespmem:$0x18400] =	vst v63  }
0x201: {  	_ =	swait.ge [sflag:s9], $0xA00  }
0x202: {  	[sflag:s9] =	ssyncset.done $0x0  }
0x203: {  	[sflag:s9] =	ssyncadd.s32 $0xFFFFF600  }
0x204: {  	_ =	swait.ge [sflag:s22], $0x2800  }
0x205: {  	[sflag:s22] =	ssyncset.done $0x0  }
0x206: {  	[sflag:s22] =	ssyncadd.s32 $0xFFFFD800  }
0x207: {  	_ =	swait.ge [sflag:s22], $0x2800  }
0x208: {  	[sflag:s22] =	ssyncset.done $0x0  }
0x209: {  	s3 =	rddreg [dreg:$0x7];
	[sflag:s22] =	ssyncadd.s32 $0xFFFFD800  }
0x20a: {  	[hbm4b:s3+s2] =	stream.linear.scatter [tilespmem:s17], [sflag:$0x5], $0xA00, $0x38;
	[tilespmem:$0x18400] =	vst v63  }
0x20b: {  	_ =	swait.ge [sflag:s9], $0xA00  }
0x20c: {  	s5 =	sld [smem:$0x7F7]  }
0x20d: {  	[sflag:s9] =	ssyncset.done $0x0  }
0x20e: {  	[sflag:s9] =	ssyncadd.s32 $0xFFFFF600  }
0x20f: {  	[hbm4b:s5+s2] =	stream.linear.scatter [tilespmem:s23], [sflag:$0x5], $0xA00, $0x38;
	[tilespmem:$0x18400] =	vst v63  }
0x210: {  	_ =	swait.ge [sflag:s9], $0xA00  }
0x211: {  	s6 =	sld [smem:$0x7F8]  }
0x212: {  	[sflag:s9] =	ssyncset.done $0x0  }
0x213: {  	[sflag:s9] =	ssyncadd.s32 $0xFFFFF600  }
0x214: {  	[hbm4b:s6+s2] =	stream.linear.scatter [tilespmem:s24], [sflag:$0x5], $0xA00, $0x38;
	[tilespmem:$0x18400] =	vst v63  }
0x215: {  	_ =	swait.ge [sflag:s9], $0xA00  }
0x216: {  	s7 =	sld [smem:$0x7F9]  }
0x217: {  	[sflag:s9] =	ssyncset.done $0x0  }
0x218: {  	[sflag:s9] =	ssyncadd.s32 $0xFFFFF600  }
0x219: {  	[hbm4b:s7+s2] =	stream.linear.scatter [tilespmem:s25], [sflag:$0x5], $0xA00, $0x38;
	[tilespmem:$0x18400] =	vst v63  }
0x21a: {  	_ =	swait.ge [sflag:s9], $0xA00  }
0x21b: {  	s31 =	sld [smem:$0x7FA]  }
0x21c: {  	[sflag:s9] =	ssyncset.done $0x0  }
0x21d: {  	[sflag:s9] =	ssyncadd.s32 $0xFFFFF600  }
0x21e: {  	[hbm4b:s31+s2] =	stream.linear.scatter [tilespmem:s18], [sflag:$0x5], $0xA00, $0x38;
	[tilespmem:$0x18400] =	vst v63  }
0x21f: {  	_ =	swait.ge [sflag:s9], $0xA00  }
0x220: {  	s3 =	sld [smem:$0x7FB]  }
0x221: {  	[sflag:s9] =	ssyncset.done $0x0  }
0x222: {  	[sflag:s9] =	ssyncadd.s32 $0xFFFFF600  }
0x223: {  	[hbm4b:s3+s2] =	stream.linear.scatter [tilespmem:s28], [sflag:$0x5], $0xA00, $0x38;
	[tilespmem:$0x18400] =	vst v63  }
0x224: {  	_ =	swait.ge [sflag:s9], $0xA00  }
0x225: {  	s5 =	sld [smem:$0x7FC]  }
0x226: {  	[sflag:s9] =	ssyncset.done $0x0  }
0x227: {  	[sflag:s9] =	ssyncadd.s32 $0xFFFFF600  }
0x228: {  	[hbm4b:s5+s2] =	stream.linear.scatter [tilespmem:s29], [sflag:$0x5], $0xA00, $0x38;
	[tilespmem:$0x18400] =	vst v63  }
0x229: {  	_ =	swait.ge [sflag:s9], $0xA00  }
0x22a: {  	s6 =	sld [smem:$0x7FD]  }
0x22b: {  	[sflag:s9] =	ssyncset.done $0x0  }
0x22c: {  	[sflag:s9] =	ssyncadd.s32 $0xFFFFF600  }
0x22d: {  	[hbm4b:s6+s2] =	stream.linear.scatter [tilespmem:s30], [sflag:$0x5], $0xA00, $0x38;
	[tilespmem:$0x18400] =	vst v63  }
0x22e: {  	_ =	swait.ge [sflag:s9], $0xA00  }
0x22f: {  	s7 =	sld [smem:$0x7F5];
	_ =	sdelay $0x2  }
0x230: {  	s31 =	rddreg [dreg:$0x8];
	s3 =	sadd.s32 $0x1, s7  }
0x231: {  	p1 =	sne.s32 s3, s31  }
.Ltmp1:
0x232: {  	_ = 	snop;
	(pc) =	sbr.rel @p1 .LBB2_1-.Ltmp1, $3  }
0x233: {  	_ =	sdelay $0x1  }
0x234: {  	[sflag:s9] =	ssyncset.done $0x0  }
0x235: {  	[sflag:s9] =	ssyncadd.s32 $0xFFFFF600  }
0x236: {  	_ =	sfence.sel $0x180000  }
0x237: {  	[bflag:$0x0] =	sbarrier.arrive $0xFFFF  }
0x238: {  	_ =	strace $0x90000047  }
0x239: {  	[bflag:$0x2] =	sbarrier.arrive $0xFFFF  }
0x23a: {  	s0 =	rddreg [dreg:$0x3]  }
0x23b: {  	s0 =	sadd.s32 @!p0 $0x100000, s0  }
0x23c: {  	[sflag:s0] =	ssyncadd.tile.s32 @!p0 $0x1;
	_ =	shalt  }
.Lfunc_end2:
_tile_overlayer_lowered:
.L_overlay_start_2:
0x23d: {  	(tag) =	ssettag $0x2  }
0x23e: {  	s0 =	rddreg [dreg:$0x0];
	s2 =	stileid.u32  }
0x23f: {  	s1 =	rddreg [dreg:$0x1];
	p0 =	sne.s32 s2, $0x0  }
0x240: {  	s3 =	rddreg [dreg:$0x2];
	[bflag:$0x3] =	sbarrier.arrive $0xFFFF;
	s2 =	simm.s32 @!p0 $0x1C05  }
0x241: {  	[timem:s3], [sflag:s2] =	dma.local @!p0 [hbm:s0], s1  }
0x242: {  	s0 =	simm.s32 @!p0 $0x5  }
0x243: {  	_ =	swait.ge @!p0 [sflag:s0], s1  }
0x244: {  	s1 =	ssub.s32 @!p0 $0x0, s1;
	[sflag:s0] =	ssyncset.done @!p0 $0x0  }
0x245: {  	[sflag:s0] =	ssyncadd.s32 @!p0 s1  }
0x246: {  	[bflag:$0x3] =	sbarrier.arrive $0xFFFF  }
0x247: {  	_ =	shalt  }

</sc_bundles>
